<compile_context>
chip_gen: v7x
topology: tpu7x:2x2x1
jax: 0.10.2.dev20260603
libtpu: 0.0.44.dev20260713+nightly
codegen_flags: <defaults>
</compile_context>

<pallas_src>
import functools

import jax
import jax.numpy as jnp
from jax import lax
from jax.experimental import pallas as pl
from jax.experimental.pallas import tpu as pltpu
from jax.experimental.pallas import tpu_sc as plsc


def _pool_blend_body(x_ref, old_ref, scol_ref, srow_ref, mem_ref, ws_ref,
                     bs_ref, e_ref, wg_ref, bg_ref, rs_ref, out_ref, win_ref,
                     cpy_ref, buf_ref, sem_in, sem_out):
    bb, t, d = x_ref.shape
    h = ws_ref.shape[1]
    m = mem_ref.shape[0]
    rows = buf_ref.shape[1]
    i = pl.program_id(0)
    n = pl.num_programs(0)
    slot = lax.rem(i, 2)

    def chunk_start(j):
        return jnp.minimum(j * rows, m - rows)

    def in_cp(j, s):
        return pltpu.make_async_copy(
            mem_ref.at[pl.ds(chunk_start(j), rows)], buf_ref.at[s],
            sem_in.at[s])

    def out_cp(j, s):
        return pltpu.make_async_copy(
            buf_ref.at[s], cpy_ref.at[pl.ds(chunk_start(j), rows)],
            sem_out.at[s])

    @pl.when(i == 0)
    def _prime():
        in_cp(i, slot).start()

    @pl.when(i >= 1)
    def _drain_prev_out():
        out_cp(i - 1, 1 - slot).wait()

    @pl.when(i + 1 < n)
    def _next_in():
        in_cp(i + 1, 1 - slot).start()

    in_cp(i, slot).wait()
    out_cp(i, slot).start()

    @pl.when(i == n - 1)
    def _drain_last():
        out_cp(i, slot).wait()

    eq = scol_ref[...] == srow_ref[...]
    ids = lax.broadcasted_iota(jnp.int32, eq.shape, 1)
    win_ref[...] = jnp.max(jnp.where(eq, ids, -1), axis=1, keepdims=True)
    x2 = x_ref[...].reshape(bb * t, d)
    logits = jnp.dot(x2, ws_ref[...], preferred_element_type=jnp.float32)
    logits = logits + bs_ref[...]
    l3 = logits.reshape(bb, t, h)
    ex = jnp.exp(l3)
    w3 = ex * (1.0 / (jnp.sum(ex, axis=1, keepdims=True) + 1e-6))
    wfull = jnp.dot(w3.reshape(bb * t, h), e_ref[...],
                    preferred_element_type=jnp.float32) * x2
    wv = wfull.reshape(bb, t, d).sum(axis=1)
    gate = jnp.dot(wv, wg_ref[...], preferred_element_type=jnp.float32)
    gate = gate + bg_ref[...]
    uf = jnp.dot(jax.nn.sigmoid(gate), e_ref[...],
                 preferred_element_type=jnp.float32)
    inv = jax.lax.rsqrt(jnp.mean(wv * wv, axis=1, keepdims=True) + 1e-6)
    wvn = wv * inv * rs_ref[...]
    old = old_ref[...]
    out_ref[...] = old + uf * (wvn - old)


def _pool_blend(x, old, slot_idx, memory, ws, bs, e, wg, bg, rs, bb):
    b, t, d = x.shape
    h = ws.shape[1]
    m = memory.shape[0]
    grid = (b // bb,)
    mrows = -(-m // (b // bb))
    mrows = -(-mrows // 8) * 8
    scol = slot_idx.reshape(b, 1)
    srow = slot_idx.reshape(1, b)
    new_val, winner, mem_copy = pl.pallas_call(
        _pool_blend_body,
        grid=grid,
        in_specs=[
            pl.BlockSpec((bb, t, d), lambda i: (i, 0, 0)),
            pl.BlockSpec((bb, d), lambda i: (i, 0)),
            pl.BlockSpec((bb, 1), lambda i: (i, 0)),
            pl.BlockSpec((1, b), lambda i: (0, 0)),
            pl.BlockSpec(memory_space=pltpu.MemorySpace.HBM),
            pl.BlockSpec((d, h), lambda i: (0, 0)),
            pl.BlockSpec((1, h), lambda i: (0, 0)),
            pl.BlockSpec((h, d), lambda i: (0, 0)),
            pl.BlockSpec((d, h), lambda i: (0, 0)),
            pl.BlockSpec((1, h), lambda i: (0, 0)),
            pl.BlockSpec((1, d), lambda i: (0, 0)),
        ],
        out_specs=[
            pl.BlockSpec((bb, d), lambda i: (i, 0)),
            pl.BlockSpec((bb, 1), lambda i: (i, 0)),
            pl.BlockSpec(memory_space=pltpu.MemorySpace.HBM),
        ],
        out_shape=[
            jax.ShapeDtypeStruct((b, d), jnp.float32),
            jax.ShapeDtypeStruct((b, 1), jnp.int32),
            jax.ShapeDtypeStruct((m, d), jnp.float32),
        ],
        scratch_shapes=[
            pltpu.VMEM((2, mrows, d), jnp.float32),
            pltpu.SemaphoreType.DMA((2,)),
            pltpu.SemaphoreType.DMA((2,)),
        ],
    )(x, old, scol, srow, memory, ws, bs, e, wg, bg, rs)
    return new_val, winner.reshape(b), mem_copy


def _sc_gather_rows(table, idx):
    b = idx.shape[0]
    d = table.shape[1]
    info = plsc.get_sparse_core_info()
    nc, ns = info.num_cores, info.num_subcores
    nw = nc * ns
    bpw = b // nw
    mesh = plsc.VectorSubcoreMesh(core_axis_name="c", subcore_axis_name="s")

    @functools.partial(
        pl.kernel,
        out_type=jax.ShapeDtypeStruct((b, d), jnp.float32),
        mesh=mesh,
        scratch_types=[
            pltpu.VMEM((bpw,), jnp.int32),
            pltpu.VMEM((bpw, d), jnp.float32),
            pltpu.SemaphoreType.DMA,
        ],
    )
    def k(idx_hbm, table_hbm, out_hbm, idx_v, rows_v, sem):
        wid = lax.axis_index("s") * nc + lax.axis_index("c")
        base = wid * bpw
        pltpu.sync_copy(idx_hbm.at[pl.ds(base, bpw)], idx_v)
        pltpu.async_copy(table_hbm.at[idx_v], rows_v, sem).wait()
        pltpu.sync_copy(rows_v, out_hbm.at[pl.ds(base, bpw)])

    return k(idx, table)


def _sc_scatter_rows(mem_ref, slot_idx, winner, new_val):
    b = slot_idx.shape[0]
    d = new_val.shape[1]
    info = plsc.get_sparse_core_info()
    nc, ns = info.num_cores, info.num_subcores
    nw = nc * ns
    bpw = b // nw
    mesh = plsc.VectorSubcoreMesh(core_axis_name="c", subcore_axis_name="s")

    @functools.partial(
        pl.kernel,
        out_type=(),
        mesh=mesh,
        scratch_types=[
            pltpu.VMEM((bpw,), jnp.int32),
            pltpu.VMEM((bpw,), jnp.int32),
            pltpu.VMEM((bpw, d), jnp.float32),
            pltpu.SemaphoreType.DMA,
        ],
    )
    def k(winner_hbm, slot_hbm, newval_hbm, mem_hbm, idxw_v, idxs_v, rows_v,
          sem):
        wid = lax.axis_index("s") * nc + lax.axis_index("c")
        base = wid * bpw
        pltpu.sync_copy(winner_hbm.at[pl.ds(base, bpw)], idxw_v)
        pltpu.sync_copy(slot_hbm.at[pl.ds(base, bpw)], idxs_v)
        pltpu.async_copy(newval_hbm.at[idxw_v], rows_v, sem).wait()
        pltpu.async_copy(rows_v, mem_hbm.at[idxs_v], sem).wait()

    k(winner, slot_idx, new_val, mem_ref)


def kernel(x, memory, W_sal, b_sal, temp, W_gate, b_gate, rms_scale,
           mask_bool, slot_idx):
    b, t, d = x.shape
    h = W_sal.shape[1]
    hd = d // h
    del mask_bool

    temperature = jax.nn.softplus(temp) + 0.3
    ws = W_sal / temperature[None, :]
    bs = (b_sal / temperature)[None, :]
    e = jnp.repeat(jnp.eye(h, dtype=jnp.float32), hd, axis=1)
    wg = e.T * jnp.tile(W_gate[:, 0], h)[:, None]
    bg = jnp.broadcast_to(b_gate, (1, h))
    rs = rms_scale[None, :]

    slot_idx = slot_idx.astype(jnp.int32)
    old = _sc_gather_rows(memory, slot_idx)
    new_val, winner, mem_copy = _pool_blend(x, old, slot_idx, memory, ws, bs,
                                            e, wg, bg, rs, 128)

    mem_ref = jax.new_ref(mem_copy)
    _sc_scatter_rows(mem_ref, slot_idx, winner, new_val)
    return mem_ref[...]

# --- scband reference (transcript-rebuilt; emitter-appended) ---
"""Pipeline reference for scband-cwrrtewindow-cell-38689065402923 (READ-ONLY COPY).

The authoritative reference and input builder live on the scoring server;
editing this copy changes nothing except your own understanding.
"""

import jax, jax.numpy as jnp
import numpy as np

B, T, D, H, M = 4096, 32, 512, 4, 100000
HD = D // H

def setup_inputs(seed: int = 0) -> dict:
    key = jax.random.key(seed)
    ks = jax.random.split(key, 8)
    x = jax.random.normal(ks[0], (B, T, D), dtype=jnp.float32)
    mask_bool = jnp.ones((B, T), dtype=bool)
    memory = jax.random.normal(ks[1], (M, D), dtype=jnp.float32)
    slot_idx = jax.random.randint(ks[2], (B,), 0, M)
    W_sal = jax.random.normal(ks[3], (D, H), dtype=jnp.float32) * 0.02
    b_sal = jnp.zeros((H,), dtype=jnp.float32)
    temp = jnp.ones((H,), dtype=jnp.float32)
    W_gate = jax.random.normal(ks[4], (HD, 1), dtype=jnp.float32) * 0.02
    b_gate = jnp.zeros((1,), dtype=jnp.float32)
    rms_scale = jnp.ones((D,), dtype=jnp.float32)
    return {"x": x, "memory": memory, "W_sal": W_sal, "b_sal": b_sal, "temp": temp,
            "W_gate": W_gate, "b_gate": b_gate, "rms_scale": rms_scale,
            "mask_bool": mask_bool, "slot_idx": slot_idx}

def reference(x, memory, W_sal, b_sal, temp, W_gate, b_gate, rms_scale, mask_bool, slot_idx):
    Bx, Tx, Dx = x.shape
    x_heads = x.reshape(Bx, Tx, H, HD)
    temperature = jax.nn.softplus(temp) + 0.3
    logits = (x @ W_sal + b_sal) / temperature[None, None, :]
    m = mask_bool[:, :, None]
    safe_logits = jnp.where(m, logits, -1e9)
    max_logits = jax.lax.stop_gradient(jnp.max(safe_logits, axis=1, keepdims=True))
    exps = jnp.exp(safe_logits - max_logits)
    exps = jnp.where(m, exps, 0.0)
    weights = exps / (jnp.sum(exps, axis=1, keepdims=True) + 1e-6)
    write_vec_heads = jnp.sum(weights[:, :, :, None] * x_heads, axis=1)  # (B,H,HD)
    gate_logits = write_vec_heads @ W_gate + b_gate  # (B,H,1)
    window_valid = jnp.any(mask_bool, axis=1)[:, None, None].astype(jnp.float32)
    write_u_heads = jax.nn.sigmoid(gate_logits) * window_valid
    write_vec = write_vec_heads.reshape(Bx, Dx)
    rms = jnp.sqrt(jnp.mean(jnp.square(write_vec), axis=-1, keepdims=True) + 1e-6)
    write_vec = write_vec / rms * rms_scale
    write_u = jnp.tile(write_u_heads, (1, 1, HD)).reshape(Bx, Dx)
    old = memory[slot_idx]  # gather
    new_val = (1.0 - write_u) * old + write_u * write_vec
    memory_new = memory.at[slot_idx].set(new_val)  # scatter overwrite
    return memory_new

if __name__ == "__main__":
    import jax
    _d = setup_inputs()
    print(jax.jit(kernel)(*tuple(_d.values())))

</pallas_src>

<mosaic_0001>
#map = affine_map<(d0, d1) -> (0)>
#map1 = affine_map<(d0, d1) -> (0, 0)>
module attributes {stable_mosaic.version = 14 : i64} {
  func.func @k(%arg0: i32, %arg1: i32, %arg2: memref<4096xi32, #tpu.memory_space<hbm>>, %arg3: memref<100000x512xf32, #tpu.memory_space<hbm>>, %arg4: memref<4096x512xf32, #tpu.memory_space<hbm>>, %arg5: memref<128xi32, #tpu.memory_space<vmem>>, %arg6: memref<128x512xf32, #tpu.memory_space<vmem>>, %arg7: memref<!tpu.dma_semaphore, #tpu.memory_space<semaphore_mem>>) attributes {dimension_semantics = [#tpu.dimension_semantics<core_parallel>, #tpu.dimension_semantics<subcore_parallel>], iteration_bounds = array<i64: 2, 16>, scalar_prefetch = 0 : i64, scratch_operands = 3 : i64, tpu.core_type = #tpu.core_type<sc_vector_subcore>, window_params = [{transform_indices = #map}, {transform_indices = #map1}, {transform_indices = #map1}]} {
    %mul3A = arith.constant 2 : i32
    %mul3A_0 = arith.muli %arg1, %mul3A : i32
    %add3A = arith.addi %mul3A_0, %arg0 : i32
    %mul3A_1 = arith.constant 128 : i32
    %mul3A_2 = arith.muli %add3A, %mul3A_1 : i32
    "tpu.region"() ({
      %run_scoped3A = tpu.sem_alloc : memref<!tpu.dma_semaphore, #tpu.memory_space<semaphore_mem>>
      %dma_start3A_7 = tpu.memref_slice %arg2[%mul3A_2] : memref<4096xi32, #tpu.memory_space<hbm>> -> memref<128xi32, #tpu.memory_space<hbm>>
      %dma_start3A_8 = tpu.memref_slice %arg2[%mul3A_2] : memref<4096xi32, #tpu.memory_space<hbm>> -> memref<128xi32, #tpu.memory_space<hbm>>
      tpu.enqueue_dma source(%dma_start3A_8 : memref<128xi32, #tpu.memory_space<hbm>>) target(%arg5 : memref<128xi32, #tpu.memory_space<vmem>>) target_semaphore(%run_scoped3A : memref<!tpu.dma_semaphore, #tpu.memory_space<semaphore_mem>>)
      %dma_wait3A_9 = tpu.memref_slice %arg2[%mul3A_2] : memref<4096xi32, #tpu.memory_space<hbm>> -> memref<128xi32, #tpu.memory_space<hbm>>
      %dma_wait3A_10 = tpu.memref_slice %arg2[%mul3A_2] : memref<4096xi32, #tpu.memory_space<hbm>> -> memref<128xi32, #tpu.memory_space<hbm>>
      tpu.wait_dma2 semaphore(%run_scoped3A : memref<!tpu.dma_semaphore, #tpu.memory_space<semaphore_mem>>) src(%dma_wait3A_10 : memref<128xi32, #tpu.memory_space<hbm>>) dst(%arg5 : memref<128xi32, #tpu.memory_space<vmem>>)
      tpu.yield
    }) : () -> ()
    %dma_start3A = arith.constant 0 : i32
    %dma_start3A_3 = arith.constant 0 : i32
    %dma_start3A_4 = tpu.memref_slice %arg3[%dma_start3A, %dma_start3A_3] : memref<100000x512xf32, #tpu.memory_space<hbm>> -> memref<100000x512xf32, #tpu.memory_space<hbm>>
    tpu.enqueue_indirect_dma source(%dma_start3A_4 : memref<100000x512xf32, #tpu.memory_space<hbm>>) target(%arg6 : memref<128x512xf32, #tpu.memory_space<vmem>>) offsets(%arg5 : memref<128xi32, #tpu.memory_space<vmem>>) semaphore(%arg7 : memref<!tpu.dma_semaphore, #tpu.memory_space<semaphore_mem>>)
    %dma_wait3A = arith.constant 0 : i32
    %dma_wait3A_5 = arith.constant 0 : i32
    %dma_wait3A_6 = tpu.memref_slice %arg3[%dma_wait3A, %dma_wait3A_5] : memref<100000x512xf32, #tpu.memory_space<hbm>> -> memref<100000x512xf32, #tpu.memory_space<hbm>>
    tpu.wait_indirect_dma semaphore(%arg7 : memref<!tpu.dma_semaphore, #tpu.memory_space<semaphore_mem>>) src(%dma_wait3A_6 : memref<100000x512xf32, #tpu.memory_space<hbm>>) dst(%arg6 : memref<128x512xf32, #tpu.memory_space<vmem>>)
    "tpu.region"() ({
      %run_scoped3A = tpu.sem_alloc : memref<!tpu.dma_semaphore, #tpu.memory_space<semaphore_mem>>
      %dma_start3A_7 = arith.constant 0 : i32
      %dma_start3A_8 = tpu.memref_slice %arg4[%mul3A_2, %dma_start3A_7] : memref<4096x512xf32, #tpu.memory_space<hbm>> -> memref<128x512xf32, #tpu.memory_space<hbm>>
      %dma_start3A_9 = arith.constant 0 : i32
      %dma_start3A_10 = tpu.memref_slice %arg4[%mul3A_2, %dma_start3A_9] : memref<4096x512xf32, #tpu.memory_space<hbm>> -> memref<128x512xf32, #tpu.memory_space<hbm>>
      tpu.enqueue_dma source(%arg6 : memref<128x512xf32, #tpu.memory_space<vmem>>) target(%dma_start3A_10 : memref<128x512xf32, #tpu.memory_space<hbm>>) target_semaphore(%run_scoped3A : memref<!tpu.dma_semaphore, #tpu.memory_space<semaphore_mem>>)
      %dma_wait3A_11 = arith.constant 0 : i32
      %dma_wait3A_12 = tpu.memref_slice %arg4[%mul3A_2, %dma_wait3A_11] : memref<4096x512xf32, #tpu.memory_space<hbm>> -> memref<128x512xf32, #tpu.memory_space<hbm>>
      %dma_wait3A_13 = arith.constant 0 : i32
      %dma_wait3A_14 = tpu.memref_slice %arg4[%mul3A_2, %dma_wait3A_13] : memref<4096x512xf32, #tpu.memory_space<hbm>> -> memref<128x512xf32, #tpu.memory_space<hbm>>
      tpu.wait_dma2 semaphore(%run_scoped3A : memref<!tpu.dma_semaphore, #tpu.memory_space<semaphore_mem>>) src(%arg6 : memref<128x512xf32, #tpu.memory_space<vmem>>) dst(%dma_wait3A_14 : memref<128x512xf32, #tpu.memory_space<hbm>>)
      tpu.yield
    }) : () -> ()
    return
  }
}

#map = affine_map<(d0, d1) -> (0)>
#map1 = affine_map<(d0, d1) -> (0, 0)>
module attributes {stable_mosaic.version = 14 : i64} {
  func.func @new_body(%arg0: i32, %arg1: i32, %arg2: memref<4096xi32, #tpu.memory_space<hbm>>, %arg3: memref<4096xi32, #tpu.memory_space<hbm>>, %arg4: memref<4096x512xf32, #tpu.memory_space<hbm>>, %arg5: memref<100000x512xf32, #tpu.memory_space<hbm>>, %arg6: memref<100000x512xf32, #tpu.memory_space<hbm>>, %arg7: memref<128xi32, #tpu.memory_space<vmem>>, %arg8: memref<128xi32, #tpu.memory_space<vmem>>, %arg9: memref<128x512xf32, #tpu.memory_space<vmem>>, %arg10: memref<!tpu.dma_semaphore, #tpu.memory_space<semaphore_mem>>) attributes {dimension_semantics = [#tpu.dimension_semantics<core_parallel>, #tpu.dimension_semantics<subcore_parallel>], iteration_bounds = array<i64: 2, 16>, scalar_prefetch = 0 : i64, scratch_operands = 4 : i64, tpu.core_type = #tpu.core_type<sc_vector_subcore>, window_params = [{transform_indices = #map}, {transform_indices = #map}, {transform_indices = #map1}, {transform_indices = #map1}, {transform_indices = #map1}]} {
    %mul3A = arith.constant 2 : i32
    %mul3A_0 = arith.muli %arg1, %mul3A : i32
    %add3A = arith.addi %mul3A_0, %arg0 : i32
    %mul3A_1 = arith.constant 128 : i32
    %mul3A_2 = arith.muli %add3A, %mul3A_1 : i32
    "tpu.region"() ({
      %run_scoped3A = tpu.sem_alloc : memref<!tpu.dma_semaphore, #tpu.memory_space<semaphore_mem>>
      %dma_start3A_13 = tpu.memref_slice %arg2[%mul3A_2] : memref<4096xi32, #tpu.memory_space<hbm>> -> memref<128xi32, #tpu.memory_space<hbm>>
      %dma_start3A_14 = tpu.memref_slice %arg2[%mul3A_2] : memref<4096xi32, #tpu.memory_space<hbm>> -> memref<128xi32, #tpu.memory_space<hbm>>
      tpu.enqueue_dma source(%dma_start3A_14 : memref<128xi32, #tpu.memory_space<hbm>>) target(%arg7 : memref<128xi32, #tpu.memory_space<vmem>>) target_semaphore(%run_scoped3A : memref<!tpu.dma_semaphore, #tpu.memory_space<semaphore_mem>>)
      %dma_wait3A_15 = tpu.memref_slice %arg2[%mul3A_2] : memref<4096xi32, #tpu.memory_space<hbm>> -> memref<128xi32, #tpu.memory_space<hbm>>
      %dma_wait3A_16 = tpu.memref_slice %arg2[%mul3A_2] : memref<4096xi32, #tpu.memory_space<hbm>> -> memref<128xi32, #tpu.memory_space<hbm>>
      tpu.wait_dma2 semaphore(%run_scoped3A : memref<!tpu.dma_semaphore, #tpu.memory_space<semaphore_mem>>) src(%dma_wait3A_16 : memref<128xi32, #tpu.memory_space<hbm>>) dst(%arg7 : memref<128xi32, #tpu.memory_space<vmem>>)
      tpu.yield
    }) : () -> ()
    "tpu.region"() ({
      %run_scoped3A = tpu.sem_alloc : memref<!tpu.dma_semaphore, #tpu.memory_space<semaphore_mem>>
      %dma_start3A_13 = tpu.memref_slice %arg3[%mul3A_2] : memref<4096xi32, #tpu.memory_space<hbm>> -> memref<128xi32, #tpu.memory_space<hbm>>
      %dma_start3A_14 = tpu.memref_slice %arg3[%mul3A_2] : memref<4096xi32, #tpu.memory_space<hbm>> -> memref<128xi32, #tpu.memory_space<hbm>>
      tpu.enqueue_dma source(%dma_start3A_14 : memref<128xi32, #tpu.memory_space<hbm>>) target(%arg8 : memref<128xi32, #tpu.memory_space<vmem>>) target_semaphore(%run_scoped3A : memref<!tpu.dma_semaphore, #tpu.memory_space<semaphore_mem>>)
      %dma_wait3A_15 = tpu.memref_slice %arg3[%mul3A_2] : memref<4096xi32, #tpu.memory_space<hbm>> -> memref<128xi32, #tpu.memory_space<hbm>>
      %dma_wait3A_16 = tpu.memref_slice %arg3[%mul3A_2] : memref<4096xi32, #tpu.memory_space<hbm>> -> memref<128xi32, #tpu.memory_space<hbm>>
      tpu.wait_dma2 semaphore(%run_scoped3A : memref<!tpu.dma_semaphore, #tpu.memory_space<semaphore_mem>>) src(%dma_wait3A_16 : memref<128xi32, #tpu.memory_space<hbm>>) dst(%arg8 : memref<128xi32, #tpu.memory_space<vmem>>)
      tpu.yield
    }) : () -> ()
    %dma_start3A = arith.constant 0 : i32
    %dma_start3A_3 = arith.constant 0 : i32
    %dma_start3A_4 = tpu.memref_slice %arg4[%dma_start3A, %dma_start3A_3] : memref<4096x512xf32, #tpu.memory_space<hbm>> -> memref<4096x512xf32, #tpu.memory_space<hbm>>
    tpu.enqueue_indirect_dma source(%dma_start3A_4 : memref<4096x512xf32, #tpu.memory_space<hbm>>) target(%arg9 : memref<128x512xf32, #tpu.memory_space<vmem>>) offsets(%arg7 : memref<128xi32, #tpu.memory_space<vmem>>) semaphore(%arg10 : memref<!tpu.dma_semaphore, #tpu.memory_space<semaphore_mem>>)
    %dma_wait3A = arith.constant 0 : i32
    %dma_wait3A_5 = arith.constant 0 : i32
    %dma_wait3A_6 = tpu.memref_slice %arg4[%dma_wait3A, %dma_wait3A_5] : memref<4096x512xf32, #tpu.memory_space<hbm>> -> memref<4096x512xf32, #tpu.memory_space<hbm>>
    tpu.wait_indirect_dma semaphore(%arg10 : memref<!tpu.dma_semaphore, #tpu.memory_space<semaphore_mem>>) src(%dma_wait3A_6 : memref<4096x512xf32, #tpu.memory_space<hbm>>) dst(%arg9 : memref<128x512xf32, #tpu.memory_space<vmem>>)
    %dma_start3A_7 = arith.constant 0 : i32
    %dma_start3A_8 = arith.constant 0 : i32
    %dma_start3A_9 = tpu.memref_slice %arg5[%dma_start3A_7, %dma_start3A_8] : memref<100000x512xf32, #tpu.memory_space<hbm>> -> memref<100000x512xf32, #tpu.memory_space<hbm>>
    tpu.enqueue_indirect_dma source(%arg9 : memref<128x512xf32, #tpu.memory_space<vmem>>) target(%dma_start3A_9 : memref<100000x512xf32, #tpu.memory_space<hbm>>) offsets(%arg8 : memref<128xi32, #tpu.memory_space<vmem>>) semaphore(%arg10 : memref<!tpu.dma_semaphore, #tpu.memory_space<semaphore_mem>>)
    %dma_wait3A_10 = arith.constant 0 : i32
    %dma_wait3A_11 = arith.constant 0 : i32
    %dma_wait3A_12 = tpu.memref_slice %arg5[%dma_wait3A_10, %dma_wait3A_11] : memref<100000x512xf32, #tpu.memory_space<hbm>> -> memref<100000x512xf32, #tpu.memory_space<hbm>>
    tpu.wait_indirect_dma semaphore(%arg10 : memref<!tpu.dma_semaphore, #tpu.memory_space<semaphore_mem>>) src(%arg9 : memref<128x512xf32, #tpu.memory_space<vmem>>) dst(%dma_wait3A_12 : memref<100000x512xf32, #tpu.memory_space<hbm>>)
    return
  }
}

module attributes {stable_mosaic.version = 14 : i64} {
  func.func @_pool_blend_body(%arg0: i32, %arg1: memref<128x32x512xf32, #tpu.memory_space<vmem>>, %arg2: memref<128x512xf32, #tpu.memory_space<vmem>>, %arg3: memref<128x1xi32, #tpu.memory_space<vmem>>, %arg4: memref<1x4096xi32, #tpu.memory_space<vmem>>, %arg5: memref<100000x512xf32, #tpu.memory_space<hbm>>, %arg6: memref<512x4xf32, #tpu.memory_space<vmem>>, %arg7: memref<1x4xf32, #tpu.memory_space<vmem>>, %arg8: memref<4x512xf32, #tpu.memory_space<vmem>>, %arg9: memref<512x4xf32, #tpu.memory_space<vmem>>, %arg10: memref<1x4xf32, #tpu.memory_space<vmem>>, %arg11: memref<1x512xf32, #tpu.memory_space<vmem>>, %arg12: memref<128x512xf32, #tpu.memory_space<vmem>>, %arg13: memref<128x1xi32, #tpu.memory_space<vmem>>, %arg14: memref<100000x512xf32, #tpu.memory_space<hbm>>, %arg15: memref<2x3128x512xf32, #tpu.memory_space<vmem>>, %arg16: memref<2x!tpu.dma_semaphore, #tpu.memory_space<semaphore_mem>>, %arg17: memref<2x!tpu.dma_semaphore, #tpu.memory_space<semaphore_mem>>) attributes {dimension_semantics = [#tpu.dimension_semantics<arbitrary>], iteration_bounds = array<i64: 32>, scalar_prefetch = 0 : i64, scratch_operands = 3 : i64, tpu.core_type = #tpu.core_type<tc>, window_params = [{transform_indices = @transform_0, window_bounds = array<i64: 128, 32, 512>}, {transform_indices = @transform_1, window_bounds = array<i64: 128, 512>}, {transform_indices = @transform_2, window_bounds = array<i64: 128, 1>}, {pipeline_mode = #tpu.pipeline_mode<synchronous>, transform_indices = @transform_3, window_bounds = array<i64: 1, 4096>}, {}, {pipeline_mode = #tpu.pipeline_mode<synchronous>, transform_indices = @transform_5, window_bounds = array<i64: 512, 4>}, {pipeline_mode = #tpu.pipeline_mode<synchronous>, transform_indices = @transform_6, window_bounds = array<i64: 1, 4>}, {pipeline_mode = #tpu.pipeline_mode<synchronous>, transform_indices = @transform_7, window_bounds = array<i64: 4, 512>}, {pipeline_mode = #tpu.pipeline_mode<synchronous>, transform_indices = @transform_8, window_bounds = array<i64: 512, 4>}, {pipeline_mode = #tpu.pipeline_mode<synchronous>, transform_indices = @transform_9, window_bounds = array<i64: 1, 4>}, {pipeline_mode = #tpu.pipeline_mode<synchronous>, transform_indices = @transform_10, window_bounds = array<i64: 1, 512>}, {transform_indices = @transform_11, window_bounds = array<i64: 128, 512>}, {transform_indices = @transform_12, window_bounds = array<i64: 128, 1>}, {}]} {
    %rem3A = arith.constant 2 : i32
    %rem3A_0 = arith.remsi %arg0, %rem3A : i32
    %eq3A = arith.constant 0 : i32
    %eq3A_1 = arith.cmpi eq, %arg0, %eq3A : i32
    %convert_element_type3A = arith.extui %eq3A_1 : i1 to i32
    %cond3A = arith.constant 0 : i32
    %cond3A_2 = arith.cmpi ne, %convert_element_type3A, %cond3A : i32
    scf.if %cond3A_2 {
      %mul3A_127 = arith.constant 3128 : i32
      %mul3A_128 = arith.muli %arg0, %mul3A_127 : i32
      %min3A_129 = arith.constant 96872 : i32
      %min3A_130 = arith.minsi %mul3A_128, %min3A_129 : i32
      %dma_start3A_131 = tpu.memref_slice %arg16[%rem3A_0] : memref<2x!tpu.dma_semaphore, #tpu.memory_space<semaphore_mem>> -> memref<1x!tpu.dma_semaphore, #tpu.memory_space<semaphore_mem>>
      %dma_start3A_132 = tpu.memref_squeeze %dma_start3A_131 : memref<1x!tpu.dma_semaphore, #tpu.memory_space<semaphore_mem>> -> memref<!tpu.dma_semaphore, #tpu.memory_space<semaphore_mem>>
      %dma_start3A_133 = arith.constant 0 : i32
      %dma_start3A_134 = arith.constant 0 : i32
      %dma_start3A_135 = tpu.memref_slice %arg15[%rem3A_0, %dma_start3A_133, %dma_start3A_134] : memref<2x3128x512xf32, #tpu.memory_space<vmem>> -> memref<1x3128x512xf32, #tpu.memory_space<vmem>>
      %dma_start3A_136 = tpu.memref_squeeze %dma_start3A_135 : memref<1x3128x512xf32, #tpu.memory_space<vmem>> -> memref<3128x512xf32, #tpu.memory_space<vmem>>
      %dma_start3A_137 = arith.constant 0 : i32
      %dma_start3A_138 = tpu.memref_slice %arg5[%min3A_130, %dma_start3A_137] : memref<100000x512xf32, #tpu.memory_space<hbm>> -> memref<3128x512xf32, #tpu.memory_space<hbm>>
      tpu.enqueue_dma source(%dma_start3A_138 : memref<3128x512xf32, #tpu.memory_space<hbm>>) target(%dma_start3A_136 : memref<3128x512xf32, #tpu.memory_space<vmem>>) target_semaphore(%dma_start3A_132 : memref<!tpu.dma_semaphore, #tpu.memory_space<semaphore_mem>>)
    } else {
    }
    %ge3A = arith.constant 1 : i32
    %ge3A_3 = arith.cmpi sge, %arg0, %ge3A : i32
    %convert_element_type3A_4 = arith.extui %ge3A_3 : i1 to i32
    %cond3A_5 = arith.constant 0 : i32
    %cond3A_6 = arith.cmpi ne, %convert_element_type3A_4, %cond3A_5 : i32
    scf.if %cond3A_6 {
      %sub3A_127 = arith.constant 1 : i32
      %sub3A_128 = arith.subi %arg0, %sub3A_127 : i32
      %sub3A_129 = arith.constant 1 : i32
      %sub3A_130 = arith.subi %sub3A_129, %rem3A_0 : i32
      %mul3A_131 = arith.constant 3128 : i32
      %mul3A_132 = arith.muli %sub3A_128, %mul3A_131 : i32
      %min3A_133 = arith.constant 96872 : i32
      %min3A_134 = arith.minsi %mul3A_132, %min3A_133 : i32
      %dma_wait3A_135 = tpu.memref_slice %arg17[%sub3A_130] : memref<2x!tpu.dma_semaphore, #tpu.memory_space<semaphore_mem>> -> memref<1x!tpu.dma_semaphore, #tpu.memory_space<semaphore_mem>>
      %dma_wait3A_136 = tpu.memref_squeeze %dma_wait3A_135 : memref<1x!tpu.dma_semaphore, #tpu.memory_space<semaphore_mem>> -> memref<!tpu.dma_semaphore, #tpu.memory_space<semaphore_mem>>
      %dma_wait3A_137 = arith.constant 0 : i32
      %dma_wait3A_138 = tpu.memref_slice %arg14[%min3A_134, %dma_wait3A_137] : memref<100000x512xf32, #tpu.memory_space<hbm>> -> memref<3128x512xf32, #tpu.memory_space<hbm>>
      %dma_wait3A_139 = arith.constant 0 : i32
      %dma_wait3A_140 = arith.constant 0 : i32
      %dma_wait3A_141 = tpu.memref_slice %arg15[%sub3A_130, %dma_wait3A_139, %dma_wait3A_140] : memref<2x3128x512xf32, #tpu.memory_space<vmem>> -> memref<1x3128x512xf32, #tpu.memory_space<vmem>>
      %dma_wait3A_142 = tpu.memref_squeeze %dma_wait3A_141 : memref<1x3128x512xf32, #tpu.memory_space<vmem>> -> memref<3128x512xf32, #tpu.memory_space<vmem>>
      tpu.wait_dma2 semaphore(%dma_wait3A_136 : memref<!tpu.dma_semaphore, #tpu.memory_space<semaphore_mem>>) src(%dma_wait3A_142 : memref<3128x512xf32, #tpu.memory_space<vmem>>) dst(%dma_wait3A_138 : memref<3128x512xf32, #tpu.memory_space<hbm>>)
    } else {
    }
    %add3A = arith.constant 1 : i32
    %add3A_7 = arith.addi %arg0, %add3A : i32
    %lt3A = arith.constant 32 : i32
    %lt3A_8 = arith.cmpi slt, %add3A_7, %lt3A : i32
    %convert_element_type3A_9 = arith.extui %lt3A_8 : i1 to i32
    %cond3A_10 = arith.constant 0 : i32
    %cond3A_11 = arith.cmpi ne, %convert_element_type3A_9, %cond3A_10 : i32
    scf.if %cond3A_11 {
      %add3A_127 = arith.constant 1 : i32
      %add3A_128 = arith.addi %arg0, %add3A_127 : i32
      %sub3A_129 = arith.constant 1 : i32
      %sub3A_130 = arith.subi %sub3A_129, %rem3A_0 : i32
      %mul3A_131 = arith.constant 3128 : i32
      %mul3A_132 = arith.muli %add3A_128, %mul3A_131 : i32
      %min3A_133 = arith.constant 96872 : i32
      %min3A_134 = arith.minsi %mul3A_132, %min3A_133 : i32
      %dma_start3A_135 = tpu.memref_slice %arg16[%sub3A_130] : memref<2x!tpu.dma_semaphore, #tpu.memory_space<semaphore_mem>> -> memref<1x!tpu.dma_semaphore, #tpu.memory_space<semaphore_mem>>
      %dma_start3A_136 = tpu.memref_squeeze %dma_start3A_135 : memref<1x!tpu.dma_semaphore, #tpu.memory_space<semaphore_mem>> -> memref<!tpu.dma_semaphore, #tpu.memory_space<semaphore_mem>>
      %dma_start3A_137 = arith.constant 0 : i32
      %dma_start3A_138 = arith.constant 0 : i32
      %dma_start3A_139 = tpu.memref_slice %arg15[%sub3A_130, %dma_start3A_137, %dma_start3A_138] : memref<2x3128x512xf32, #tpu.memory_space<vmem>> -> memref<1x3128x512xf32, #tpu.memory_space<vmem>>
      %dma_start3A_140 = tpu.memref_squeeze %dma_start3A_139 : memref<1x3128x512xf32, #tpu.memory_space<vmem>> -> memref<3128x512xf32, #tpu.memory_space<vmem>>
      %dma_start3A_141 = arith.constant 0 : i32
      %dma_start3A_142 = tpu.memref_slice %arg5[%min3A_134, %dma_start3A_141] : memref<100000x512xf32, #tpu.memory_space<hbm>> -> memref<3128x512xf32, #tpu.memory_space<hbm>>
      tpu.enqueue_dma source(%dma_start3A_142 : memref<3128x512xf32, #tpu.memory_space<hbm>>) target(%dma_start3A_140 : memref<3128x512xf32, #tpu.memory_space<vmem>>) target_semaphore(%dma_start3A_136 : memref<!tpu.dma_semaphore, #tpu.memory_space<semaphore_mem>>)
    } else {
    }
    %mul3A = arith.constant 3128 : i32
    %mul3A_12 = arith.muli %arg0, %mul3A : i32
    %min3A = arith.constant 96872 : i32
    %min3A_13 = arith.minsi %mul3A_12, %min3A : i32
    %dma_wait3A = tpu.memref_slice %arg16[%rem3A_0] : memref<2x!tpu.dma_semaphore, #tpu.memory_space<semaphore_mem>> -> memref<1x!tpu.dma_semaphore, #tpu.memory_space<semaphore_mem>>
    %dma_wait3A_14 = tpu.memref_squeeze %dma_wait3A : memref<1x!tpu.dma_semaphore, #tpu.memory_space<semaphore_mem>> -> memref<!tpu.dma_semaphore, #tpu.memory_space<semaphore_mem>>
    %dma_wait3A_15 = arith.constant 0 : i32
    %dma_wait3A_16 = arith.constant 0 : i32
    %dma_wait3A_17 = tpu.memref_slice %arg15[%rem3A_0, %dma_wait3A_15, %dma_wait3A_16] : memref<2x3128x512xf32, #tpu.memory_space<vmem>> -> memref<1x3128x512xf32, #tpu.memory_space<vmem>>
    %dma_wait3A_18 = tpu.memref_squeeze %dma_wait3A_17 : memref<1x3128x512xf32, #tpu.memory_space<vmem>> -> memref<3128x512xf32, #tpu.memory_space<vmem>>
    %dma_wait3A_19 = arith.constant 0 : i32
    %dma_wait3A_20 = tpu.memref_slice %arg5[%min3A_13, %dma_wait3A_19] : memref<100000x512xf32, #tpu.memory_space<hbm>> -> memref<3128x512xf32, #tpu.memory_space<hbm>>
    tpu.wait_dma2 semaphore(%dma_wait3A_14 : memref<!tpu.dma_semaphore, #tpu.memory_space<semaphore_mem>>) src(%dma_wait3A_20 : memref<3128x512xf32, #tpu.memory_space<hbm>>) dst(%dma_wait3A_18 : memref<3128x512xf32, #tpu.memory_space<vmem>>)
    %mul3A_21 = arith.constant 3128 : i32
    %mul3A_22 = arith.muli %arg0, %mul3A_21 : i32
    %min3A_23 = arith.constant 96872 : i32
    %min3A_24 = arith.minsi %mul3A_22, %min3A_23 : i32
    %dma_start3A = tpu.memref_slice %arg17[%rem3A_0] : memref<2x!tpu.dma_semaphore, #tpu.memory_space<semaphore_mem>> -> memref<1x!tpu.dma_semaphore, #tpu.memory_space<semaphore_mem>>
    %dma_start3A_25 = tpu.memref_squeeze %dma_start3A : memref<1x!tpu.dma_semaphore, #tpu.memory_space<semaphore_mem>> -> memref<!tpu.dma_semaphore, #tpu.memory_space<semaphore_mem>>
    %dma_start3A_26 = arith.constant 0 : i32
    %dma_start3A_27 = tpu.memref_slice %arg14[%min3A_24, %dma_start3A_26] : memref<100000x512xf32, #tpu.memory_space<hbm>> -> memref<3128x512xf32, #tpu.memory_space<hbm>>
    %dma_start3A_28 = arith.constant 0 : i32
    %dma_start3A_29 = arith.constant 0 : i32
    %dma_start3A_30 = tpu.memref_slice %arg15[%rem3A_0, %dma_start3A_28, %dma_start3A_29] : memref<2x3128x512xf32, #tpu.memory_space<vmem>> -> memref<1x3128x512xf32, #tpu.memory_space<vmem>>
    %dma_start3A_31 = tpu.memref_squeeze %dma_start3A_30 : memref<1x3128x512xf32, #tpu.memory_space<vmem>> -> memref<3128x512xf32, #tpu.memory_space<vmem>>
    tpu.enqueue_dma source(%dma_start3A_31 : memref<3128x512xf32, #tpu.memory_space<vmem>>) target(%dma_start3A_27 : memref<3128x512xf32, #tpu.memory_space<hbm>>) target_semaphore(%dma_start3A_25 : memref<!tpu.dma_semaphore, #tpu.memory_space<semaphore_mem>>)
    %eq3A_32 = arith.constant 31 : i32
    %eq3A_33 = arith.cmpi eq, %arg0, %eq3A_32 : i32
    %convert_element_type3A_34 = arith.extui %eq3A_33 : i1 to i32
    %cond3A_35 = arith.constant 0 : i32
    %cond3A_36 = arith.cmpi ne, %convert_element_type3A_34, %cond3A_35 : i32
    scf.if %cond3A_36 {
      %mul3A_127 = arith.constant 3128 : i32
      %mul3A_128 = arith.muli %arg0, %mul3A_127 : i32
      %min3A_129 = arith.constant 96872 : i32
      %min3A_130 = arith.minsi %mul3A_128, %min3A_129 : i32
      %dma_wait3A_131 = tpu.memref_slice %arg17[%rem3A_0] : memref<2x!tpu.dma_semaphore, #tpu.memory_space<semaphore_mem>> -> memref<1x!tpu.dma_semaphore, #tpu.memory_space<semaphore_mem>>
      %dma_wait3A_132 = tpu.memref_squeeze %dma_wait3A_131 : memref<1x!tpu.dma_semaphore, #tpu.memory_space<semaphore_mem>> -> memref<!tpu.dma_semaphore, #tpu.memory_space<semaphore_mem>>
      %dma_wait3A_133 = arith.constant 0 : i32
      %dma_wait3A_134 = tpu.memref_slice %arg14[%min3A_130, %dma_wait3A_133] : memref<100000x512xf32, #tpu.memory_space<hbm>> -> memref<3128x512xf32, #tpu.memory_space<hbm>>
      %dma_wait3A_135 = arith.constant 0 : i32
      %dma_wait3A_136 = arith.constant 0 : i32
      %dma_wait3A_137 = tpu.memref_slice %arg15[%rem3A_0, %dma_wait3A_135, %dma_wait3A_136] : memref<2x3128x512xf32, #tpu.memory_space<vmem>> -> memref<1x3128x512xf32, #tpu.memory_space<vmem>>
      %dma_wait3A_138 = tpu.memref_squeeze %dma_wait3A_137 : memref<1x3128x512xf32, #tpu.memory_space<vmem>> -> memref<3128x512xf32, #tpu.memory_space<vmem>>
      tpu.wait_dma2 semaphore(%dma_wait3A_132 : memref<!tpu.dma_semaphore, #tpu.memory_space<semaphore_mem>>) src(%dma_wait3A_138 : memref<3128x512xf32, #tpu.memory_space<vmem>>) dst(%dma_wait3A_134 : memref<3128x512xf32, #tpu.memory_space<hbm>>)
    } else {
    }
    %get3A = arith.constant 0 : index
    %get3A_37 = arith.constant 0 : index
    %get3A_38 = vector.load %arg3[%get3A, %get3A_37] : memref<128x1xi32, #tpu.memory_space<vmem>>, vector<128x1xi32>
    %get3A_39 = arith.constant 0 : index
    %get3A_40 = arith.constant 0 : index
    %get3A_41 = vector.load %arg4[%get3A_39, %get3A_40] : memref<1x4096xi32, #tpu.memory_space<vmem>>, vector<1x4096xi32>
    %eq3A_42 = vector.broadcast %get3A_38 : vector<128x1xi32> to vector<128x4096xi32>
    %eq3A_43 = vector.broadcast %get3A_41 : vector<1x4096xi32> to vector<128x4096xi32>
    %eq3A_44 = arith.cmpi eq, %eq3A_42, %eq3A_43 : vector<128x4096xi32>
    %iota3A = tpu.iota {dimensions = array<i32: 1>} : vector<128x4096xi32>
    %jit3A = arith.constant -1 : i32
    %broadcast_in_dim3A = vector.broadcast %jit3A : i32 to vector<128x4096xi32>
    %select_n3A = arith.select %eq3A_44, %iota3A, %broadcast_in_dim3A : vector<128x4096xi1>, vector<128x4096xi32>
    %reduce_max3A = arith.constant dense<-2147483648> : vector<128xi32>
    %reduce_max3A_45 = vector.multi_reduction <maxsi>, %select_n3A, %reduce_max3A [1] : vector<128x4096xi32> to vector<128xi32>
    %broadcast_in_dim3A_46 = vector.shape_cast %reduce_max3A_45 : vector<128xi32> to vector<128x1xi32>
    %swap3A = arith.constant 0 : index
    %swap3A_47 = arith.constant 0 : index
    %swap3A_48 = vector.load %arg13[%swap3A, %swap3A_47] : memref<128x1xi32, #tpu.memory_space<vmem>>, vector<128x1xi32>
    tpu.vector_store %arg13[%swap3A, %swap3A_47], %broadcast_in_dim3A_46 {strides = array<i32>} : memref<128x1xi32, #tpu.memory_space<vmem>>, vector<128x1xi32>,
    %get3A_49 = arith.constant 0 : index
    %get3A_50 = arith.constant 0 : index
    %get3A_51 = arith.constant 0 : index
    %get3A_52 = vector.load %arg1[%get3A_49, %get3A_50, %get3A_51] : memref<128x32x512xf32, #tpu.memory_space<vmem>>, vector<128x32x512xf32>
    %reshape3A = vector.shape_cast %get3A_52 : vector<128x32x512xf32> to vector<4096x512xf32>
    %get3A_53 = arith.constant 0 : index
    %get3A_54 = arith.constant 0 : index
    %get3A_55 = vector.load %arg6[%get3A_53, %get3A_54] : memref<512x4xf32, #tpu.memory_space<vmem>>, vector<512x4xf32>
    %dot_general3A = arith.constant dense<0.000000e+00> : vector<4096x4xf32>
    %dot_general3A_56 = tpu.matmul %reshape3A, %get3A_55, %dot_general3A {dimension_numbers = #tpu.dot_dimension_numbers<[1], [0], [0], [1], [0, 0, 1, 1], [], []>, transpose_lhs_hint = false} : vector<4096x512xf32>, vector<512x4xf32>, vector<4096x4xf32> -> vector<4096x4xf32>
    %get3A_57 = arith.constant 0 : index
    %get3A_58 = arith.constant 0 : index
    %get3A_59 = vector.load %arg7[%get3A_57, %get3A_58] : memref<1x4xf32, #tpu.memory_space<vmem>>, vector<1x4xf32>
    %add3A_60 = vector.broadcast %get3A_59 : vector<1x4xf32> to vector<4096x4xf32>
    %add3A_61 = arith.addf %dot_general3A_56, %add3A_60 : vector<4096x4xf32>
    %reshape3A_62 = vector.shape_cast %add3A_61 : vector<4096x4xf32> to vector<128x32x4xf32>
    %exp3A = math.exp %reshape3A_62 : vector<128x32x4xf32>
    %reduce_sum3A = arith.constant dense<0.000000e+00> : vector<128x4xf32>
    %reduce_sum3A_63 = vector.multi_reduction <add>, %exp3A, %reduce_sum3A [1] : vector<128x32x4xf32> to vector<128x4xf32>
    %broadcast_in_dim3A_64 = vector.shape_cast %reduce_sum3A_63 : vector<128x4xf32> to vector<128x1x4xf32>
    %add3A_65 = arith.constant 9.99999997E-7 : f32
    %add3A_66 = vector.broadcast %add3A_65 : f32 to vector<128x1x4xf32>
    %add3A_67 = arith.addf %broadcast_in_dim3A_64, %add3A_66 : vector<128x1x4xf32>
    %div3A = arith.constant 1.000000e+00 : f32
    %div3A_68 = vector.broadcast %div3A : f32 to vector<128x1x4xf32>
    %div3A_69 = arith.divf %div3A_68, %add3A_67 : vector<128x1x4xf32>
    %mul3A_70 = vector.broadcast %div3A_69 : vector<128x1x4xf32> to vector<128x32x4xf32>
    %mul3A_71 = arith.mulf %exp3A, %mul3A_70 : vector<128x32x4xf32>
    %reshape3A_72 = vector.shape_cast %mul3A_71 : vector<128x32x4xf32> to vector<4096x4xf32>
    %get3A_73 = arith.constant 0 : index
    %get3A_74 = arith.constant 0 : index
    %get3A_75 = vector.load %arg8[%get3A_73, %get3A_74] : memref<4x512xf32, #tpu.memory_space<vmem>>, vector<4x512xf32>
    %dot_general3A_76 = arith.constant dense<0.000000e+00> : vector<4096x512xf32>
    %dot_general3A_77 = tpu.matmul %reshape3A_72, %get3A_75, %dot_general3A_76 {dimension_numbers = #tpu.dot_dimension_numbers<[1], [0], [0], [1], [0, 0, 1, 1], [], []>, transpose_lhs_hint = false} : vector<4096x4xf32>, vector<4x512xf32>, vector<4096x512xf32> -> vector<4096x512xf32>
    %mul3A_78 = arith.mulf %dot_general3A_77, %reshape3A : vector<4096x512xf32>
    %reshape3A_79 = vector.shape_cast %mul3A_78 : vector<4096x512xf32> to vector<128x32x512xf32>
    %reduce_sum3A_80 = arith.constant dense<0.000000e+00> : vector<128x512xf32>
    %reduce_sum3A_81 = vector.multi_reduction <add>, %reshape3A_79, %reduce_sum3A_80 [1] : vector<128x32x512xf32> to vector<128x512xf32>
    %get3A_82 = arith.constant 0 : index
    %get3A_83 = arith.constant 0 : index
    %get3A_84 = vector.load %arg9[%get3A_82, %get3A_83] : memref<512x4xf32, #tpu.memory_space<vmem>>, vector<512x4xf32>
    %dot_general3A_85 = arith.constant dense<0.000000e+00> : vector<128x4xf32>
    %dot_general3A_86 = tpu.matmul %reduce_sum3A_81, %get3A_84, %dot_general3A_85 {dimension_numbers = #tpu.dot_dimension_numbers<[1], [0], [0], [1], [0, 0, 1, 1], [], []>, transpose_lhs_hint = false} : vector<128x512xf32>, vector<512x4xf32>, vector<128x4xf32> -> vector<128x4xf32>
    %get3A_87 = arith.constant 0 : index
    %get3A_88 = arith.constant 0 : index
    %get3A_89 = vector.load %arg10[%get3A_87, %get3A_88] : memref<1x4xf32, #tpu.memory_space<vmem>>, vector<1x4xf32>
    %add3A_90 = vector.broadcast %get3A_89 : vector<1x4xf32> to vector<128x4xf32>
    %add3A_91 = arith.addf %dot_general3A_86, %add3A_90 : vector<128x4xf32>
    %logistic3A = arith.negf %add3A_91 : vector<128x4xf32>
    %logistic3A_92 = math.exp %logistic3A : vector<128x4xf32>
    %logistic3A_93 = arith.constant 1.000000e+00 : f32
    %logistic3A_94 = vector.broadcast %logistic3A_93 : f32 to vector<128x4xf32>
    %logistic3A_95 = arith.addf %logistic3A_94, %logistic3A_92 : vector<128x4xf32>
    %logistic3A_96 = arith.divf %logistic3A_94, %logistic3A_95 : vector<128x4xf32>
    %get3A_97 = arith.constant 0 : index
    %get3A_98 = arith.constant 0 : index
    %get3A_99 = vector.load %arg8[%get3A_97, %get3A_98] : memref<4x512xf32, #tpu.memory_space<vmem>>, vector<4x512xf32>
    %dot_general3A_100 = arith.constant dense<0.000000e+00> : vector<128x512xf32>
    %dot_general3A_101 = tpu.matmul %logistic3A_96, %get3A_99, %dot_general3A_100 {dimension_numbers = #tpu.dot_dimension_numbers<[1], [0], [0], [1], [0, 0, 1, 1], [], []>, transpose_lhs_hint = false} : vector<128x4xf32>, vector<4x512xf32>, vector<128x512xf32> -> vector<128x512xf32>
    %mul3A_102 = arith.mulf %reduce_sum3A_81, %reduce_sum3A_81 : vector<128x512xf32>
    %reduce_sum3A_103 = arith.constant dense<0.000000e+00> : vector<128xf32>
    %reduce_sum3A_104 = vector.multi_reduction <add>, %mul3A_102, %reduce_sum3A_103 [1] : vector<128x512xf32> to vector<128xf32>
    %broadcast_in_dim3A_105 = vector.shape_cast %reduce_sum3A_104 : vector<128xf32> to vector<128x1xf32>
    %div3A_106 = arith.constant 5.120000e+02 : f32
    %div3A_107 = vector.broadcast %div3A_106 : f32 to vector<128x1xf32>
    %div3A_108 = arith.divf %broadcast_in_dim3A_105, %div3A_107 : vector<128x1xf32>
    %add3A_109 = arith.constant 9.99999997E-7 : f32
    %add3A_110 = vector.broadcast %add3A_109 : f32 to vector<128x1xf32>
    %add3A_111 = arith.addf %div3A_108, %add3A_110 : vector<128x1xf32>
    %rsqrt3A = math.rsqrt %add3A_111 : vector<128x1xf32>
    %mul3A_112 = vector.broadcast %rsqrt3A : vector<128x1xf32> to vector<128x512xf32>
    %mul3A_113 = arith.mulf %reduce_sum3A_81, %mul3A_112 : vector<128x512xf32>
    %get3A_114 = arith.constant 0 : index
    %get3A_115 = arith.constant 0 : index
    %get3A_116 = vector.load %arg11[%get3A_114, %get3A_115] : memref<1x512xf32, #tpu.memory_space<vmem>>, vector<1x512xf32>
    %mul3A_117 = vector.broadcast %get3A_116 : vector<1x512xf32> to vector<128x512xf32>
    %mul3A_118 = arith.mulf %mul3A_113, %mul3A_117 : vector<128x512xf32>
    %get3A_119 = arith.constant 0 : index
    %get3A_120 = arith.constant 0 : index
    %get3A_121 = vector.load %arg2[%get3A_119, %get3A_120] : memref<128x512xf32, #tpu.memory_space<vmem>>, vector<128x512xf32>
    %sub3A = arith.subf %mul3A_118, %get3A_121 : vector<128x512xf32>
    %mul3A_122 = arith.mulf %dot_general3A_101, %sub3A : vector<128x512xf32>
    %add3A_123 = arith.addf %get3A_121, %mul3A_122 : vector<128x512xf32>
    %swap3A_124 = arith.constant 0 : index
    %swap3A_125 = arith.constant 0 : index
    %swap3A_126 = vector.load %arg12[%swap3A_124, %swap3A_125] : memref<128x512xf32, #tpu.memory_space<vmem>>, vector<128x512xf32>
    tpu.vector_store %arg12[%swap3A_124, %swap3A_125], %add3A_123 {strides = array<i32>} : memref<128x512xf32, #tpu.memory_space<vmem>>, vector<128x512xf32>,
    return
  }
  func.func @transform_0(%arg0: i32) -> (i32, i32, i32) {
    %c0_i32 = arith.constant 0 : i32
    %c0_i32_0 = arith.constant 0 : i32
    %c0_i32_1 = arith.constant 0 : i32
    return %arg0, %c0_i32, %c0_i32_0 : i32, i32, i32
  }
  func.func @transform_1(%arg0: i32) -> (i32, i32) {
    %c0_i32 = arith.constant 0 : i32
    %c0_i32_0 = arith.constant 0 : i32
    return %arg0, %c0_i32 : i32, i32
  }
  func.func @transform_2(%arg0: i32) -> (i32, i32) {
    %c0_i32 = arith.constant 0 : i32
    %c0_i32_0 = arith.constant 0 : i32
    return %arg0, %c0_i32 : i32, i32
  }
  func.func @transform_3(%arg0: i32) -> (i32, i32) {
    %c0_i32 = arith.constant 0 : i32
    %c0_i32_0 = arith.constant 0 : i32
    %c0_i32_1 = arith.constant 0 : i32
    return %c0_i32, %c0_i32_0 : i32, i32
  }
  func.func @transform_5(%arg0: i32) -> (i32, i32) {
    %c0_i32 = arith.constant 0 : i32
    %c0_i32_0 = arith.constant 0 : i32
    %c0_i32_1 = arith.constant 0 : i32
    return %c0_i32, %c0_i32_0 : i32, i32
  }
  func.func @transform_6(%arg0: i32) -> (i32, i32) {
    %c0_i32 = arith.constant 0 : i32
    %c0_i32_0 = arith.constant 0 : i32
    %c0_i32_1 = arith.constant 0 : i32
    return %c0_i32, %c0_i32_0 : i32, i32
  }
  func.func @transform_7(%arg0: i32) -> (i32, i32) {
    %c0_i32 = arith.constant 0 : i32
    %c0_i32_0 = arith.constant 0 : i32
    %c0_i32_1 = arith.constant 0 : i32
    return %c0_i32, %c0_i32_0 : i32, i32
  }
  func.func @transform_8(%arg0: i32) -> (i32, i32) {
    %c0_i32 = arith.constant 0 : i32
    %c0_i32_0 = arith.constant 0 : i32
    %c0_i32_1 = arith.constant 0 : i32
    return %c0_i32, %c0_i32_0 : i32, i32
  }
  func.func @transform_9(%arg0: i32) -> (i32, i32) {
    %c0_i32 = arith.constant 0 : i32
    %c0_i32_0 = arith.constant 0 : i32
    %c0_i32_1 = arith.constant 0 : i32
    return %c0_i32, %c0_i32_0 : i32, i32
  }
  func.func @transform_10(%arg0: i32) -> (i32, i32) {
    %c0_i32 = arith.constant 0 : i32
    %c0_i32_0 = arith.constant 0 : i32
    %c0_i32_1 = arith.constant 0 : i32
    return %c0_i32, %c0_i32_0 : i32, i32
  }
  func.func @transform_11(%arg0: i32) -> (i32, i32) {
    %c0_i32 = arith.constant 0 : i32
    %c0_i32_0 = arith.constant 0 : i32
    return %arg0, %c0_i32 : i32, i32
  }
  func.func @transform_12(%arg0: i32) -> (i32, i32) {
    %c0_i32 = arith.constant 0 : i32
    %c0_i32_0 = arith.constant 0 : i32
    return %arg0, %c0_i32 : i32, i32
  }
}

</mosaic_0001>

<sc_bundles>
// kernel: kernel.5.cloned.1.call-start
scs
__scs_entry_jumppad:
0x0: {  	(pc) =	sbr.rel $0x88, $3  }
0x1: {  	(tag) =	ssettag $0x0;
	lr =	simm.s32 $0x1  }
0x2: {  	[smem:$0x3F98] =	sst lr;
	_ =	strace $0xD0000000  }
0x3: {  	_ = 	snop  }
0x4: {  	_ = 	snop  }
0x5: {  	_ = 	snop  }
0x6: {  	_ = 	snop  }
0x7: {  	_ = 	snop  }
__scs_overlays_trampoline_lowered:
0x8: {  	[smem:$0x3FA7] =	sst s0  }
0x9: {  	[smem:$0x3FA8] =	sst s1  }
0xa: {  	[smem:$0x3FA9] =	sst s2  }
0xb: {  	[smem:$0x3FAA] =	sst s3  }
0xc: {  	[smem:$0x3FAB] =	sst s4  }
0xd: {  	[smem:$0x3FAC] =	sst s5  }
0xe: {  	[smem:$0x3FAD] =	sst s6  }
0xf: {  	[smem:$0x3FAE] =	sst s7  }
0x10: {  	[smem:$0x3FAF] =	sst s8  }
0x11: {  	[smem:$0x3FB0] =	sst s9;
	s0 =	simm.s32 @!p0 $0x0  }
0x12: {  	s1 =	sld [smem:$0x3F96];
	s0 =	simm.s32 @p0 $0x1  }
0x13: {  	[smem:$0x3FB1] =	sst s0;
	s0 =	simm.s32 @!p1 $0x0  }
0x14: {  	s2 =	sld [smem:$0x3F95];
	s0 =	simm.s32 @p1 $0x1  }
0x15: {  	[smem:$0x3FB2] =	sst s0;
	s0 =	simm.s32 @!p2 $0x0  }
0x16: {  	s3 =	sld [smem:$0x3FDB];
	s0 =	simm.s32 @p2 $0x1  }
0x17: {  	s4 =	simm.s32 $0x1BF5;
	[smem:$0x3FB4] =	sst s0  }
0x18: {  	s0 =	sld [smem:$0x3F97];
	_ =	swait.ge [sflag:s4], $0x0  }
0x19: {  	s7 =	sld [smem:$0x3F98]  }
0x1a: {  	s8 =	sadd.s32 $0xFFFFE003, lr  }
0x1b: {  	s9 =	sadd.s32 $0xFFFFFEF7, lr;
	s5 =	simm.s32 $0xFFFFFFFF;
	p2 =	slt.u32 s8, $0xFFFFF086  }
0x1c: {  	p1 =	slt.u32 s9, $0xF7A;
	s5 =	simm.s32 @!p2 $0x0  }
0x1d: {  	s5 =	simm.s32 @p1 $0x1;
	p0 =	seq.s32 s7, s2  }
0x1e: {  	s7 =	smul.u32 @!p0 $0xF7A, s2;
	p2 =	seq.s32 @!p0 s5, $0x0  }
0x1f: {  	s9 =	smul.u32 $0xF7A, s1;
	s8 =	simm.s32 @!p0 $0x1BF5;
	p2 =	por !p2, p0  }
0x20: {  	[sflag:s8] =	ssyncset.s32 @!p0 $0xFFFFF086;
	s6 =	sadd.s32 @!p0 s3, s7;
	s7 =	simm.s32 @!p0 $0x108  }
0x21: {  	s3 =	sadd.s32 s3, s9;
	s6 =	sadd.s32 @!p0 $0x88, s6;
	s7 =	simm.s32 @p2 $0x1082  }
0x22: {  	[simem:s7], [sflag:s8] =	dma.local @!p0 [hbm:s6], $0xF7A  }
0x23: {  	s9 =	sor.u32 $0xD0000000, s2;
	s6 =	simm.s32 $0x108;
	_ =	swait.ge @!p0 [sflag:s8], $0x0  }
0x24: {  	s3 =	sadd.s32 $0x88, s3;
	s6 =	simm.s32 @!p1 $0x1082;
	[sflag:s4] =	ssyncset.s32 $0xFFFFF086  }
0x25: {  	[simem:s6], [sflag:s4] =	dma.local [hbm:s3], $0xF7A  }
0x26: {  	[smem:$0x3F98] =	sst s1;
	(tag) =	ssettag s2;
	_ =	strace s9  }
0x27: {  	s1 =	sld [smem:$0x3FA8]  }
0x28: {  	s2 =	sld [smem:$0x3FA9]  }
0x29: {  	s4 =	sld [smem:$0x3FAB]  }
0x2a: {  	p0 =	seq.s32 s5, $0x0;
	s5 =	sld [smem:$0x3FAC]  }
0x2b: {  	s6 =	sld [smem:$0x3FAD]  }
0x2c: {  	s7 =	sld [smem:$0x3FAE]  }
0x2d: {  	s3 =	simm.s32 $0x108;
	s8 =	sld [smem:$0x3FAF]  }
0x2e: {  	s3 =	simm.s32 @!p0 $0x1082;
	s9 =	sld [smem:$0x3FB0]  }
0x2f: {  	lr =	sadd.s32 s0, s3;
	s0 =	sld [smem:$0x3FA7]  }
0x30: {  	s3 =	sld [smem:$0x3FAA]  }
0x31: {  	[smem:$0x3FB3] =	sst s10  }
0x32: {  	s10 =	sld [smem:$0x3FB1];
	_ =	sdelay $0x3  }
0x33: {  	p0 =	seq.s32 s10, $0x1;
	s10 =	sld [smem:$0x3FB3];
	_ =	sdelay $0x3  }
0x34: {  	[smem:$0x3FB3] =	sst s10  }
0x35: {  	s10 =	sld [smem:$0x3FB2];
	_ =	sdelay $0x3  }
0x36: {  	p1 =	seq.s32 s10, $0x1;
	s10 =	sld [smem:$0x3FB3];
	_ =	sdelay $0x3  }
0x37: {  	[smem:$0x3FB3] =	sst s10  }
0x38: {  	s10 =	sld [smem:$0x3FB4]  }
0x39: {  	_ = 	snop;
	(pc) =	sbr.ind lr, $3  }
0x3a: {  	_ = 	snop  }
0x3b: {  	_ = 	snop  }
0x3c: {  	p2 =	seq.s32 s10, $0x1;
	s10 =	sld [smem:$0x3FB3]  }
0x3d: {  	_ =	shalt  }
0x3e: {  	_ =	shalt  }
0x3f: {  	_ =	shalt  }
0x40: {  	_ =	shalt  }
0x41: {  	_ =	shalt  }
0x42: {  	_ =	shalt  }
0x43: {  	_ =	shalt  }
0x44: {  	_ =	shalt  }
0x45: {  	_ =	shalt  }
0x46: {  	_ =	shalt  }
0x47: {  	_ =	shalt  }
0x48: {  	_ =	shalt  }
0x49: {  	_ =	shalt  }
0x4a: {  	_ =	shalt  }
0x4b: {  	_ =	shalt  }
0x4c: {  	_ =	shalt  }
0x4d: {  	_ =	shalt  }
0x4e: {  	_ =	shalt  }
0x4f: {  	_ =	shalt  }
0x50: {  	_ =	shalt  }
0x51: {  	_ =	shalt  }
0x52: {  	_ =	shalt  }
0x53: {  	_ =	shalt  }
0x54: {  	_ =	shalt  }
0x55: {  	_ =	shalt  }
0x56: {  	_ =	shalt  }
0x57: {  	_ =	shalt  }
0x58: {  	_ =	shalt  }
0x59: {  	_ =	shalt  }
0x5a: {  	_ =	shalt  }
0x5b: {  	_ =	shalt  }
0x5c: {  	_ =	shalt  }
0x5d: {  	_ =	shalt  }
0x5e: {  	_ =	shalt  }
0x5f: {  	_ =	shalt  }
0x60: {  	_ =	shalt  }
0x61: {  	_ =	shalt  }
0x62: {  	_ =	shalt  }
0x63: {  	_ =	shalt  }
0x64: {  	_ =	shalt  }
0x65: {  	_ =	shalt  }
0x66: {  	_ =	shalt  }
0x67: {  	_ =	shalt  }
0x68: {  	_ =	shalt  }
0x69: {  	_ =	shalt  }
0x6a: {  	_ =	shalt  }
0x6b: {  	_ =	shalt  }
0x6c: {  	_ =	shalt  }
0x6d: {  	_ =	shalt  }
0x6e: {  	_ =	shalt  }
0x6f: {  	_ =	shalt  }
0x70: {  	_ =	shalt  }
0x71: {  	_ =	shalt  }
0x72: {  	_ =	shalt  }
0x73: {  	_ =	shalt  }
0x74: {  	_ =	shalt  }
0x75: {  	_ =	shalt  }
0x76: {  	_ =	shalt  }
0x77: {  	_ =	shalt  }
0x78: {  	_ =	shalt  }
0x79: {  	_ =	shalt  }
0x7a: {  	_ =	shalt  }
0x7b: {  	_ =	shalt  }
0x7c: {  	_ =	shalt  }
0x7d: {  	_ =	shalt  }
0x7e: {  	_ =	shalt  }
0x7f: {  	_ =	shalt  }
0x80: {  	_ =	shalt  }
0x81: {  	_ =	shalt  }
0x82: {  	_ =	shalt  }
0x83: {  	_ =	shalt  }
0x84: {  	_ =	shalt  }
0x85: {  	_ =	shalt  }
0x86: {  	_ =	shalt  }
0x87: {  	_ =	shalt  }
.Lfunc_end0:
.L_simem_size_0:
called_computation_lowered:
.L_overlay_start_0:
0x88: {  	s2 =	sld [smem:$0x3FD9]  }
0x89: {  	s3 =	sld [smem:$0x3FFE];
	_ =	sdelay $0x1  }
0x8a: {  	s1 =	srdreg.scid  }
0x8b: {  	s0 =	sand.u32 $0x1, s1  }
0x8c: {  	s18 =	sshll.u32 s0, $0xA;
	s2 =	sadd.s32 s3, s2  }
0x8d: {  	s2 =	sadd.s32 s2, s18  }
0x8e: {  	[smem:$0x3FBF] =	sst s2  }
0x8f: {  	_ = 	snop  }
0x90: {  	s2 =	sld [smem:$0x3FC8]  }
0x91: {  	s19 =	sld [smem:$0x3FC1]  }
0x92: {  	s4 =	sld [smem:$0x3FD0];
	(tm) =	ssettm $0x1  }
0x93: {  	s5 =	sld [smem:$0x3FFB];
	_ =	sdelay $0x3  }
0x94: {  	_ =	strace s5  }
0x95: {  	s5 =	sld [smem:$0x3FFC];
	_ =	sdelay $0x3  }
0x96: {  	_ =	strace s5  }
0x97: {  	s5 =	sld [smem:$0x3FFD];
	_ =	sdelay $0x3  }
0x98: {  	_ =	strace s5  }
0x99: {  	_ =	strace $0x8FFFFFFF  }
0x9a: {  	s20 =	sld [smem:$0x3FDB];
	_ =	sdelay $0x1  }
0x9b: {  	s6 =	simm.s32 $_scs_section_size  }
0x9c: {  	s7 =	simm.s32 $_size__tile_overlayer_lowered;
	s8 =	simm.s32 $_tile_overlayer_lowered  }
0x9d: {  	s23 =	simm.s32 $0x1BFF;
	s22 =	sshll.u32 s8, $0x1;
	s5 =	sadd.s32 s6, s20  }
0x9e: {  	s9 =	simm.s32 $0x0;
	s21 =	sshll.u32 s7, $0x1;
	s7 =	sadd.s32 s22, s5  }
0x9f: {  	[timem:s9], [sflag:s23] =	dma.local [hbm:s7], s21  }
0xa0: {  	_ =	swait.ge [sflag:s23], s21  }
0xa1: {  	s6 =	ssub.s32 $0x0, s21;
	[sflag:s23] =	ssyncset.done $0x0  }
0xa2: {  	[sflag:s23] =	ssyncadd.s32 s6;
	_ =	sdelay $0x1  }
0xa3: {  	s24 =	simm.s32 $0x1B8B  }
0xa4: {  	_ =	swait.ge [sflag:s24], $0x1  }
0xa5: {  	[sflag:s24] =	ssyncset.done $0x0  }
0xa6: {  	s25 =	simm.s32 $0x1B8E;
	[sflag:s24] =	ssyncadd.s32 $0xFFFFFFFF  }
0xa7: {  	s26 =	simm.s32 $execute0_lowered;
	[smem:$0x3FD2] =	sst s25  }
0xa8: {  	s6 =	sshll.u32 s26, $0x1;
	_ =	strace $0x80000046;
	[dreg:$0x1] =	wrdreg $0xFFFFFFFF  }
0xa9: {  	s28 =	simm.s32 $_size_execute0_lowered;
	s5 =	sadd.s32 s5, s6;
	[dreg:$0x0] =	wrdreg $0x0  }
0xaa: {  	s6 =	sshll.u32 s28, $0x1;
	[dreg:$0x2] =	wrdreg s5  }
0xab: {  	[dreg:$0x3] =	wrdreg s6  }
0xac: {  	[dreg:$0x4] =	wrdreg $0xC0  }
0xad: {  	_ =	task [dreg:s9], $0x5FFFF  }
0xae: {  	[dreg:$0x1] =	wrdreg $0xFFFFFFFF  }
0xaf: {  	[dreg:$0x0] =	wrdreg $0x60  }
0xb0: {  	[dreg:$0x2] =	wrdreg s19  }
0xb1: {  	[dreg:$0x3] =	wrdreg s2  }
0xb2: {  	[dreg:$0x4] =	wrdreg s4  }
0xb3: {  	[dreg:$0x5] =	wrdreg $0x9  }
0xb4: {  	_ =	task.clear_ibuf [dreg:s9], $0x6FFFF;
	_ =	strace $0x90000046  }
0xb5: {  	s29 =	simm.s32 $0x9;
	_ =	strace $0x80000048  }
0xb6: {  	_ =	swait.ge [sflag:s29], $0x1  }
0xb7: {  	[sflag:s29] =	ssyncadd.s32 $0xFFFFFFFF  }
0xb8: {  	_ =	strace $0x90000048  }
0xb9: {  	_ =	sfence  }
0xba: {  	s30 =	sld [smem:$0x0];
	_ =	sdelay $0x2  }
0xbb: {  	s31 =	sshll.u32 s1, $0xD;
	s1 =	sshrl.u32 s1, $0x2  }
0xbc: {  	s3 =	sand.u32 $0x4000, s31;
	s1 =	sadd.s32 s1, s30  }
0xbd: {  	s0 =	sor.u32 s3, s0;
	s1 =	sshll.u32 s1, $0x11  }
0xbe: {  	s0 =	sor.u32 s1, s0  }
0xbf: {  	s0 =	sadd.s32 $0x8F2B, s0  }
0xc0: {  	[sflag:s0] =	ssyncadd.remote.s32 $0x1  }
0xc1: {  	_ =	sfence.sel $0xFFFF  }
0xc2: {  	[dreg:$0x0] =	wrdreg $0xFFFFFFFF;
	(pc) =	sbr.abs _section_cstart, $3  }
0xc3: {  	[dreg:$0x1] =	wrdreg $0xFFFFFFFF  }
0xc4: {  	_ =	task.clear_ibuf [dreg:s9], $0x2FFFF;
	_ =	strace $0x9FFFFFFF  }
0xc5: {  	(tm) =	ssettm $0x7FFFFFFF  }
tec
execute0_lowered:
.L_overlay_start_1:
0x0: {  	(tag) =	ssettag $0x1  }
0x1: {  	s1 =	rddreg [dreg:$0x0];
	s3 =	srdreg.scid  }
0x2: {  	s2 =	rddreg [dreg:$0x1];
	s0 =	stileid.u32  }
0x3: {  	s5 =	rddreg [dreg:$0x2];
	s18 =	simm.s32 $0x880;
	s19 =	simm.s32 $0x1080  }
0x4: {  	s20 =	simm.s32 $0x1880;
	s21 =	simm.s32 $0x2080;
	s23 =	simm.s32 $0x2880  }
0x5: {  	s24 =	simm.s32 $0x3080;
	s25 =	simm.s32 $0x3880;
	s26 =	simm.s32 $0x4080  }
0x6: {  	s9 =	simm.s32 $0x5080;
	s4 =	sand.u32 $0x1, s3;
	s3 =	simm.s32 $0x0  }
0x7: {  	s10 =	simm.s32 $0x5880;
	s11 =	simm.s32 $0x6080;
	[smem:$0x7FF] =	sst s3  }
0x8: {  	s12 =	simm.s32 $0x6880;
	_ =	strace $0x80000047;
	[dreg:$0x6] =	wrdreg s18  }
0x9: {  	s13 =	simm.s32 $0x7080;
	s14 =	simm.s32 $0x7880;
	[dreg:$0x7] =	wrdreg s19  }
0xa: {  	s15 =	simm.s32 $0x8080;
	s16 =	simm.s32 $0x8880;
	[dreg:$0x8] =	wrdreg s20  }
0xb: {  	s28 =	simm.s32 $0xE080;
	s29 =	simm.s32 $0xE880;
	[dreg:$0x9] =	wrdreg s21  }
0xc: {  	s30 =	simm.s32 $0xF080;
	s31 =	simm.s32 $0xF880;
	[dreg:$0xa] =	wrdreg s23  }
0xd: {  	s6 =	sshll.u32 s0, $0x8;
	s7 =	sshll.u32 s4, $0x7;
	[dreg:$0xb] =	wrdreg s24  }
0xe: {  	s4 =	ssub.s32 $0x2, s4;
	s6 =	sor.u32 s7, s6;
	[dreg:$0xc] =	wrdreg s25  }
0xf: {  	s22 =	sshrl.u32 s4, $0x1;
	[dreg:$0xd] =	wrdreg s26;
	s18 =	simm.s32 $0x9880  }
0x10: {  	s19 =	simm.s32 $0xA080;
	s20 =	simm.s32 $0xA880;
	s21 =	simm.s32 $0xB080  }
0x11: {  	s23 =	simm.s32 $0xC080;
	s24 =	simm.s32 $0xC880;
	s25 =	simm.s32 $0xD080  }
0x12: {  	s26 =	simm.s32 $0xD880;
	s7 =	sshrl.u32 s6, $0x3;
	s6 =	sshll.u32 s6, $0x6  }
0x13: {  	s1 =	sadd.s32 s1, s7;
	s17 =	sadd.s32 s5, s6;
	s5 =	ssub.s32 s4, s22  }
0x14: {  	v2 =	vlaneseq.u32;
	s4 =	sadd.s32 $0x100, s2;
	s6 =	simm.s32 $0x2;
	[dreg:$0x4] =	wrdreg s1  }
0x15: {  	vm0 =	vmmov $0xffff;
	v1 =	vshrl.u32 v2, $0x3;
	s7 =	simm.s32 $0x80;
	s22 =	simm.s32 $0xB880;
	[dreg:$0x5] =	wrdreg s17  }
0x16: {  	v0 =	vand.u32 $0x7, v2;
	v2 =	vor.u32 $0x8, v2;
	v1 =	vmul.u32 $0x8, v1;
	s5 =	smax.u32 s5, $0x1;
	s17 =	simm.s32 $0x9080;
	s1 =	simm.s32 $0x1  }
.LBB2_1:
0x17: {  	s0 =	rddreg [dreg:$0x4]  }
0x18: {  	[tilespmem:s3], [sflag:$0x2] =	stream.linear.gather [hbm4b:s0+s3], $0x80, $0x38;
	[tilespmem:$0x10080] =	vst v63  }
0x19: {  	_ =	swait.ge [sflag:s6], $0x80  }
0x1a: {  	[sflag:s6] =	ssyncset.done $0x0  }
0x1b: {  	[sflag:s6] =	ssyncadd.s32 $0xFFFFFF80  }
0x1c: {  	v3 =	vld [tilespmem:$0x0];
	_ =	sdelay $0x4  }
0x1d: {  	v4 =	vshll.u32 v3, $0x2  }
0x1e: {  	v3 =	vand.u32 $0x7, v3;
	v4 =	vand.u32 $0xFFFFFFE0, v4  }
0x1f: {  	v3 =	vor.u32 v3, v4  }
0x20: {  	v4 =	vperm.xlane v3, v0;
	_ =	sdelay $0x1  }
0x21: {  	v4 =	vadd.s32 v1, v4;
	_ =	sdelay $0x1  }
0x22: {  	v3 =	vperm.xlane v3, v2;
	_ =	sdelay $0x1  }
0x23: {  	v3 =	vadd.s32 v1, v3  }
0x24: {  	[tilespmem:s7], [sflag:$0x1] =	stream.indirect_vreg.gather [hbm4b:s2+s3], $0x80, v4, vm0, $0xb8;
	[tilespmem:$0x10080] =	vst v63  }
0x25: {  	s0 =	rddreg [dreg:$0x6]  }
0x26: {  	[tilespmem:s0], [sflag:$0x1] =	stream.indirect_vreg.gather [hbm4b:s4+s3], $0x80, v4, vm0, $0xb8;
	[tilespmem:$0x10080] =	vst v63  }
0x27: {  	s8 =	rddreg [dreg:$0x7]  }
0x28: {  	[tilespmem:s8], [sflag:$0x1] =	stream.indirect_vreg.gather [hbm4b:s2+s3], $0x80, v3, vm0, $0xb8;
	[tilespmem:$0x10080] =	vst v63  }
0x29: {  	s0 =	rddreg [dreg:$0x8]  }
0x2a: {  	[tilespmem:s0], [sflag:$0x1] =	stream.indirect_vreg.gather [hbm4b:s4+s3], $0x80, v3, vm0, $0xb8;
	[tilespmem:$0x10080] =	vst v63  }
0x2b: {  	v3 =	vld [tilespmem:$0x10];
	_ =	sdelay $0x4  }
0x2c: {  	v57 =	vshll.u32 v3, $0x2  }
0x2d: {  	v3 =	vand.u32 $0x7, v3;
	v4 =	vand.u32 $0xFFFFFFE0, v57  }
0x2e: {  	v3 =	vor.u32 v3, v4  }
0x2f: {  	v4 =	vperm.xlane v3, v0;
	_ =	sdelay $0x1  }
0x30: {  	v4 =	vadd.s32 v1, v4;
	_ =	sdelay $0x1  }
0x31: {  	v3 =	vperm.xlane v3, v2;
	_ =	sdelay $0x1  }
0x32: {  	s0 =	rddreg [dreg:$0x9];
	v3 =	vadd.s32 v1, v3  }
0x33: {  	[tilespmem:s0], [sflag:$0x1] =	stream.indirect_vreg.gather [hbm4b:s2+s3], $0x80, v4, vm0, $0xb8;
	[tilespmem:$0x10080] =	vst v63  }
0x34: {  	s8 =	rddreg [dreg:$0xa]  }
0x35: {  	[tilespmem:s8], [sflag:$0x1] =	stream.indirect_vreg.gather [hbm4b:s4+s3], $0x80, v4, vm0, $0xb8;
	[tilespmem:$0x10080] =	vst v63  }
0x36: {  	s0 =	rddreg [dreg:$0xb]  }
0x37: {  	[tilespmem:s0], [sflag:$0x1] =	stream.indirect_vreg.gather [hbm4b:s2+s3], $0x80, v3, vm0, $0xb8;
	[tilespmem:$0x10080] =	vst v63  }
0x38: {  	s8 =	rddreg [dreg:$0xc]  }
0x39: {  	[tilespmem:s8], [sflag:$0x1] =	stream.indirect_vreg.gather [hbm4b:s4+s3], $0x80, v3, vm0, $0xb8;
	[tilespmem:$0x10080] =	vst v63  }
0x3a: {  	v3 =	vld [tilespmem:$0x20];
	_ =	sdelay $0x4  }
0x3b: {  	v58 =	vshll.u32 v3, $0x2  }
0x3c: {  	v3 =	vand.u32 $0x7, v3;
	v4 =	vand.u32 $0xFFFFFFE0, v58  }
0x3d: {  	v3 =	vor.u32 v3, v4  }
0x3e: {  	v4 =	vperm.xlane v3, v0;
	_ =	sdelay $0x1  }
0x3f: {  	v4 =	vadd.s32 v1, v4;
	_ =	sdelay $0x1  }
0x40: {  	v3 =	vperm.xlane v3, v2;
	_ =	sdelay $0x1  }
0x41: {  	s8 =	rddreg [dreg:$0xd];
	v3 =	vadd.s32 v1, v3  }
0x42: {  	[tilespmem:s8], [sflag:$0x1] =	stream.indirect_vreg.gather [hbm4b:s2+s3], $0x80, v4, vm0, $0xb8;
	[tilespmem:$0x10080] =	vst v63  }
0x43: {  	s8 =	simm.s32 $0x4880  }
0x44: {  	[tilespmem:s8], [sflag:$0x1] =	stream.indirect_vreg.gather [hbm4b:s4+s3], $0x80, v4, vm0, $0xb8;
	[tilespmem:$0x10080] =	vst v63  }
0x45: {  	_ = 	snop  }
0x46: {  	[tilespmem:s9], [sflag:$0x1] =	stream.indirect_vreg.gather [hbm4b:s2+s3], $0x80, v3, vm0, $0xb8;
	[tilespmem:$0x10080] =	vst v63  }
0x47: {  	_ = 	snop  }
0x48: {  	[tilespmem:s10], [sflag:$0x1] =	stream.indirect_vreg.gather [hbm4b:s4+s3], $0x80, v3, vm0, $0xb8;
	[tilespmem:$0x10080] =	vst v63  }
0x49: {  	v3 =	vld [tilespmem:$0x30];
	_ =	sdelay $0x4  }
0x4a: {  	v59 =	vshll.u32 v3, $0x2  }
0x4b: {  	v3 =	vand.u32 $0x7, v3;
	v4 =	vand.u32 $0xFFFFFFE0, v59  }
0x4c: {  	v3 =	vor.u32 v3, v4  }
0x4d: {  	v4 =	vperm.xlane v3, v0;
	_ =	sdelay $0x1  }
0x4e: {  	v4 =	vadd.s32 v1, v4;
	_ =	sdelay $0x1  }
0x4f: {  	v3 =	vperm.xlane v3, v2;
	_ =	sdelay $0x1  }
0x50: {  	v3 =	vadd.s32 v1, v3  }
0x51: {  	[tilespmem:s11], [sflag:$0x1] =	stream.indirect_vreg.gather [hbm4b:s2+s3], $0x80, v4, vm0, $0xb8;
	[tilespmem:$0x10080] =	vst v63  }
0x52: {  	_ = 	snop  }
0x53: {  	[tilespmem:s12], [sflag:$0x1] =	stream.indirect_vreg.gather [hbm4b:s4+s3], $0x80, v4, vm0, $0xb8;
	[tilespmem:$0x10080] =	vst v63  }
0x54: {  	_ = 	snop  }
0x55: {  	[tilespmem:s13], [sflag:$0x1] =	stream.indirect_vreg.gather [hbm4b:s2+s3], $0x80, v3, vm0, $0xb8;
	[tilespmem:$0x10080] =	vst v63  }
0x56: {  	_ = 	snop  }
0x57: {  	[tilespmem:s14], [sflag:$0x1] =	stream.indirect_vreg.gather [hbm4b:s4+s3], $0x80, v3, vm0, $0xb8;
	[tilespmem:$0x10080] =	vst v63  }
0x58: {  	v3 =	vld [tilespmem:$0x40];
	_ =	sdelay $0x4  }
0x59: {  	v60 =	vshll.u32 v3, $0x2  }
0x5a: {  	v3 =	vand.u32 $0x7, v3;
	v4 =	vand.u32 $0xFFFFFFE0, v60  }
0x5b: {  	v3 =	vor.u32 v3, v4  }
0x5c: {  	v4 =	vperm.xlane v3, v0;
	_ =	sdelay $0x1  }
0x5d: {  	v4 =	vadd.s32 v1, v4;
	_ =	sdelay $0x1  }
0x5e: {  	v3 =	vperm.xlane v3, v2;
	_ =	sdelay $0x1  }
0x5f: {  	v3 =	vadd.s32 v1, v3  }
0x60: {  	[tilespmem:s15], [sflag:$0x1] =	stream.indirect_vreg.gather [hbm4b:s2+s3], $0x80, v4, vm0, $0xb8;
	[tilespmem:$0x10080] =	vst v63  }
0x61: {  	_ = 	snop  }
0x62: {  	[tilespmem:s16], [sflag:$0x1] =	stream.indirect_vreg.gather [hbm4b:s4+s3], $0x80, v4, vm0, $0xb8;
	[tilespmem:$0x10080] =	vst v63  }
0x63: {  	_ = 	snop  }
0x64: {  	[tilespmem:s17], [sflag:$0x1] =	stream.indirect_vreg.gather [hbm4b:s2+s3], $0x80, v3, vm0, $0xb8;
	[tilespmem:$0x10080] =	vst v63  }
0x65: {  	_ = 	snop  }
0x66: {  	[tilespmem:s18], [sflag:$0x1] =	stream.indirect_vreg.gather [hbm4b:s4+s3], $0x80, v3, vm0, $0xb8;
	[tilespmem:$0x10080] =	vst v63  }
0x67: {  	v3 =	vld [tilespmem:$0x50];
	_ =	sdelay $0x4  }
0x68: {  	v61 =	vshll.u32 v3, $0x2  }
0x69: {  	v3 =	vand.u32 $0x7, v3;
	v4 =	vand.u32 $0xFFFFFFE0, v61  }
0x6a: {  	v3 =	vor.u32 v3, v4  }
0x6b: {  	v4 =	vperm.xlane v3, v0;
	_ =	sdelay $0x1  }
0x6c: {  	v4 =	vadd.s32 v1, v4;
	_ =	sdelay $0x1  }
0x6d: {  	v3 =	vperm.xlane v3, v2;
	_ =	sdelay $0x1  }
0x6e: {  	v3 =	vadd.s32 v1, v3  }
0x6f: {  	[tilespmem:s19], [sflag:$0x1] =	stream.indirect_vreg.gather [hbm4b:s2+s3], $0x80, v4, vm0, $0xb8;
	[tilespmem:$0x10080] =	vst v63  }
0x70: {  	_ = 	snop  }
0x71: {  	[tilespmem:s20], [sflag:$0x1] =	stream.indirect_vreg.gather [hbm4b:s4+s3], $0x80, v4, vm0, $0xb8;
	[tilespmem:$0x10080] =	vst v63  }
0x72: {  	_ = 	snop  }
0x73: {  	[tilespmem:s21], [sflag:$0x1] =	stream.indirect_vreg.gather [hbm4b:s2+s3], $0x80, v3, vm0, $0xb8;
	[tilespmem:$0x10080] =	vst v63  }
0x74: {  	_ = 	snop  }
0x75: {  	[tilespmem:s22], [sflag:$0x1] =	stream.indirect_vreg.gather [hbm4b:s4+s3], $0x80, v3, vm0, $0xb8;
	[tilespmem:$0x10080] =	vst v63  }
0x76: {  	v3 =	vld [tilespmem:$0x60];
	_ =	sdelay $0x4  }
0x77: {  	v62 =	vshll.u32 v3, $0x2  }
0x78: {  	v3 =	vand.u32 $0x7, v3;
	v4 =	vand.u32 $0xFFFFFFE0, v62  }
0x79: {  	v3 =	vor.u32 v3, v4  }
0x7a: {  	v4 =	vperm.xlane v3, v0;
	_ =	sdelay $0x1  }
0x7b: {  	v4 =	vadd.s32 v1, v4;
	_ =	sdelay $0x1  }
0x7c: {  	v3 =	vperm.xlane v3, v2;
	_ =	sdelay $0x1  }
0x7d: {  	v3 =	vadd.s32 v1, v3  }
0x7e: {  	[tilespmem:s23], [sflag:$0x1] =	stream.indirect_vreg.gather [hbm4b:s2+s3], $0x80, v4, vm0, $0xb8;
	[tilespmem:$0x10080] =	vst v63  }
0x7f: {  	_ = 	snop  }
0x80: {  	[tilespmem:s24], [sflag:$0x1] =	stream.indirect_vreg.gather [hbm4b:s4+s3], $0x80, v4, vm0, $0xb8;
	[tilespmem:$0x10080] =	vst v63  }
0x81: {  	_ = 	snop  }
0x82: {  	[tilespmem:s25], [sflag:$0x1] =	stream.indirect_vreg.gather [hbm4b:s2+s3], $0x80, v3, vm0, $0xb8;
	[tilespmem:$0x10080] =	vst v63  }
0x83: {  	_ = 	snop  }
0x84: {  	[tilespmem:s26], [sflag:$0x1] =	stream.indirect_vreg.gather [hbm4b:s4+s3], $0x80, v3, vm0, $0xb8;
	[tilespmem:$0x10080] =	vst v63  }
0x85: {  	v3 =	vld [tilespmem:$0x70];
	_ =	sdelay $0x4  }
0x86: {  	v63 =	vshll.u32 v3, $0x2  }
0x87: {  	v3 =	vand.u32 $0x7, v3;
	v4 =	vand.u32 $0xFFFFFFE0, v63  }
0x88: {  	v3 =	vor.u32 v3, v4  }
0x89: {  	v4 =	vperm.xlane v3, v0;
	_ =	sdelay $0x1  }
0x8a: {  	v4 =	vadd.s32 v1, v4;
	_ =	sdelay $0x1  }
0x8b: {  	v3 =	vperm.xlane v3, v2;
	_ =	sdelay $0x1  }
0x8c: {  	v3 =	vadd.s32 v1, v3  }
0x8d: {  	[tilespmem:s28], [sflag:$0x1] =	stream.indirect_vreg.gather [hbm4b:s2+s3], $0x80, v4, vm0, $0xb8;
	[tilespmem:$0x10080] =	vst v63  }
0x8e: {  	_ = 	snop  }
0x8f: {  	[tilespmem:s29], [sflag:$0x1] =	stream.indirect_vreg.gather [hbm4b:s4+s3], $0x80, v4, vm0, $0xb8;
	[tilespmem:$0x10080] =	vst v63  }
0x90: {  	_ = 	snop  }
0x91: {  	[tilespmem:s30], [sflag:$0x1] =	stream.indirect_vreg.gather [hbm4b:s2+s3], $0x80, v3, vm0, $0xb8;
	[tilespmem:$0x10080] =	vst v63  }
0x92: {  	_ = 	snop  }
0x93: {  	[tilespmem:s31], [sflag:$0x1] =	stream.indirect_vreg.gather [hbm4b:s4+s3], $0x80, v3, vm0, $0xb8;
	[tilespmem:$0x10080] =	vst v63  }
0x94: {  	_ =	swait.ge [sflag:s1], $0x10000  }
0x95: {  	p0 =	sne.s32 s5, $0x1;
	[sflag:s1] =	ssyncset.done $0x0  }
.Ltmp0:
0x96: {  	s8 =	rddreg [dreg:$0x5];
	[sflag:s1] =	ssyncadd.s32 $0xFFFF0000;
	(pc) =	sbr.rel @p0 .LBB2_1-.Ltmp0, $4  }
0x97: {  	[hbm4b:s8+s3] =	stream.linear.scatter [tilespmem:s7], [sflag:$0x2], $0x10000, $0x38;
	[tilespmem:$0x10080] =	vst v63  }
0x98: {  	_ =	swait.ge [sflag:s6], $0x10000  }
0x99: {  	[sflag:s6] =	ssyncset.done $0x0  }
0x9a: {  	s5 =	sadd.s32 $0xFFFFFFFF, s5;
	[sflag:s6] =	ssyncadd.s32 $0xFFFF0000  }
0x9b: {  	_ =	sfence.sel $0x180000  }
0x9c: {  	[bflag:$0x0] =	sbarrier.arrive $0xFFFF  }
0x9d: {  	_ =	strace $0x90000047  }
0x9e: {  	s0 =	stileid.u32;
	[bflag:$0x2] =	sbarrier.arrive $0xFFFF  }
0x9f: {  	p0 =	sne.s32 s0, $0x0;
	s0 =	rddreg [dreg:$0x3]  }
0xa0: {  	s0 =	sadd.s32 @!p0 $0x100000, s0  }
0xa1: {  	[sflag:s0] =	ssyncadd.tile.s32 @!p0 $0x1;
	_ =	shalt  }
.Lfunc_end2:
_tile_overlayer_lowered:
.L_overlay_start_2:
0xa2: {  	(tag) =	ssettag $0x2  }
0xa3: {  	s0 =	rddreg [dreg:$0x0];
	s2 =	stileid.u32  }
0xa4: {  	s1 =	rddreg [dreg:$0x1];
	p0 =	sne.s32 s2, $0x0  }
0xa5: {  	s3 =	rddreg [dreg:$0x2];
	[bflag:$0x3] =	sbarrier.arrive $0xFFFF;
	s2 =	simm.s32 @!p0 $0x1C02  }
0xa6: {  	[timem:s3], [sflag:s2] =	dma.local @!p0 [hbm:s0], s1  }
0xa7: {  	s0 =	simm.s32 @!p0 $0x2  }
0xa8: {  	_ =	swait.ge @!p0 [sflag:s0], s1  }
0xa9: {  	s1 =	ssub.s32 @!p0 $0x0, s1;
	[sflag:s0] =	ssyncset.done @!p0 $0x0  }
0xaa: {  	[sflag:s0] =	ssyncadd.s32 @!p0 s1  }
0xab: {  	[bflag:$0x3] =	sbarrier.arrive $0xFFFF  }
0xac: {  	_ =	shalt  }

// kernel: kernel.8.cloned.1.call-start
scs
__scs_entry_jumppad:
0x0: {  	(pc) =	sbr.rel $0x88, $3  }
0x1: {  	(tag) =	ssettag $0x0;
	lr =	simm.s32 $0x1  }
0x2: {  	[smem:$0x3F98] =	sst lr;
	_ =	strace $0xD0000000  }
0x3: {  	_ = 	snop  }
0x4: {  	_ = 	snop  }
0x5: {  	_ = 	snop  }
0x6: {  	_ = 	snop  }
0x7: {  	_ = 	snop  }
__scs_overlays_trampoline_lowered:
0x8: {  	[smem:$0x3FA7] =	sst s0  }
0x9: {  	[smem:$0x3FA8] =	sst s1  }
0xa: {  	[smem:$0x3FA9] =	sst s2  }
0xb: {  	[smem:$0x3FAA] =	sst s3  }
0xc: {  	[smem:$0x3FAB] =	sst s4  }
0xd: {  	[smem:$0x3FAC] =	sst s5  }
0xe: {  	[smem:$0x3FAD] =	sst s6  }
0xf: {  	[smem:$0x3FAE] =	sst s7  }
0x10: {  	[smem:$0x3FAF] =	sst s8  }
0x11: {  	[smem:$0x3FB0] =	sst s9;
	s0 =	simm.s32 @!p0 $0x0  }
0x12: {  	s1 =	sld [smem:$0x3F96];
	s0 =	simm.s32 @p0 $0x1  }
0x13: {  	[smem:$0x3FB1] =	sst s0;
	s0 =	simm.s32 @!p1 $0x0  }
0x14: {  	s2 =	sld [smem:$0x3F95];
	s0 =	simm.s32 @p1 $0x1  }
0x15: {  	[smem:$0x3FB2] =	sst s0;
	s0 =	simm.s32 @!p2 $0x0  }
0x16: {  	s3 =	sld [smem:$0x3FDB];
	s0 =	simm.s32 @p2 $0x1  }
0x17: {  	s4 =	simm.s32 $0x1BF5;
	[smem:$0x3FB4] =	sst s0  }
0x18: {  	s0 =	sld [smem:$0x3F97];
	_ =	swait.ge [sflag:s4], $0x0  }
0x19: {  	s7 =	sld [smem:$0x3F98]  }
0x1a: {  	s8 =	sadd.s32 $0xFFFFE003, lr  }
0x1b: {  	s9 =	sadd.s32 $0xFFFFFEF7, lr;
	s5 =	simm.s32 $0xFFFFFFFF;
	p2 =	slt.u32 s8, $0xFFFFF086  }
0x1c: {  	p1 =	slt.u32 s9, $0xF7A;
	s5 =	simm.s32 @!p2 $0x0  }
0x1d: {  	s5 =	simm.s32 @p1 $0x1;
	p0 =	seq.s32 s7, s2  }
0x1e: {  	s7 =	smul.u32 @!p0 $0xF7A, s2;
	p2 =	seq.s32 @!p0 s5, $0x0  }
0x1f: {  	s9 =	smul.u32 $0xF7A, s1;
	s8 =	simm.s32 @!p0 $0x1BF5;
	p2 =	por !p2, p0  }
0x20: {  	[sflag:s8] =	ssyncset.s32 @!p0 $0xFFFFF086;
	s6 =	sadd.s32 @!p0 s3, s7;
	s7 =	simm.s32 @!p0 $0x108  }
0x21: {  	s3 =	sadd.s32 s3, s9;
	s6 =	sadd.s32 @!p0 $0x88, s6;
	s7 =	simm.s32 @p2 $0x1082  }
0x22: {  	[simem:s7], [sflag:s8] =	dma.local @!p0 [hbm:s6], $0xF7A  }
0x23: {  	s9 =	sor.u32 $0xD0000000, s2;
	s6 =	simm.s32 $0x108;
	_ =	swait.ge @!p0 [sflag:s8], $0x0  }
0x24: {  	s3 =	sadd.s32 $0x88, s3;
	s6 =	simm.s32 @!p1 $0x1082;
	[sflag:s4] =	ssyncset.s32 $0xFFFFF086  }
0x25: {  	[simem:s6], [sflag:s4] =	dma.local [hbm:s3], $0xF7A  }
0x26: {  	[smem:$0x3F98] =	sst s1;
	(tag) =	ssettag s2;
	_ =	strace s9  }
0x27: {  	s1 =	sld [smem:$0x3FA8]  }
0x28: {  	s2 =	sld [smem:$0x3FA9]  }
0x29: {  	s4 =	sld [smem:$0x3FAB]  }
0x2a: {  	p0 =	seq.s32 s5, $0x0;
	s5 =	sld [smem:$0x3FAC]  }
0x2b: {  	s6 =	sld [smem:$0x3FAD]  }
0x2c: {  	s7 =	sld [smem:$0x3FAE]  }
0x2d: {  	s3 =	simm.s32 $0x108;
	s8 =	sld [smem:$0x3FAF]  }
0x2e: {  	s3 =	simm.s32 @!p0 $0x1082;
	s9 =	sld [smem:$0x3FB0]  }
0x2f: {  	lr =	sadd.s32 s0, s3;
	s0 =	sld [smem:$0x3FA7]  }
0x30: {  	s3 =	sld [smem:$0x3FAA]  }
0x31: {  	[smem:$0x3FB3] =	sst s10  }
0x32: {  	s10 =	sld [smem:$0x3FB1];
	_ =	sdelay $0x3  }
0x33: {  	p0 =	seq.s32 s10, $0x1;
	s10 =	sld [smem:$0x3FB3];
	_ =	sdelay $0x3  }
0x34: {  	[smem:$0x3FB3] =	sst s10  }
0x35: {  	s10 =	sld [smem:$0x3FB2];
	_ =	sdelay $0x3  }
0x36: {  	p1 =	seq.s32 s10, $0x1;
	s10 =	sld [smem:$0x3FB3];
	_ =	sdelay $0x3  }
0x37: {  	[smem:$0x3FB3] =	sst s10  }
0x38: {  	s10 =	sld [smem:$0x3FB4]  }
0x39: {  	_ = 	snop;
	(pc) =	sbr.ind lr, $3  }
0x3a: {  	_ = 	snop  }
0x3b: {  	_ = 	snop  }
0x3c: {  	p2 =	seq.s32 s10, $0x1;
	s10 =	sld [smem:$0x3FB3]  }
0x3d: {  	_ =	shalt  }
0x3e: {  	_ =	shalt  }
0x3f: {  	_ =	shalt  }
0x40: {  	_ =	shalt  }
0x41: {  	_ =	shalt  }
0x42: {  	_ =	shalt  }
0x43: {  	_ =	shalt  }
0x44: {  	_ =	shalt  }
0x45: {  	_ =	shalt  }
0x46: {  	_ =	shalt  }
0x47: {  	_ =	shalt  }
0x48: {  	_ =	shalt  }
0x49: {  	_ =	shalt  }
0x4a: {  	_ =	shalt  }
0x4b: {  	_ =	shalt  }
0x4c: {  	_ =	shalt  }
0x4d: {  	_ =	shalt  }
0x4e: {  	_ =	shalt  }
0x4f: {  	_ =	shalt  }
0x50: {  	_ =	shalt  }
0x51: {  	_ =	shalt  }
0x52: {  	_ =	shalt  }
0x53: {  	_ =	shalt  }
0x54: {  	_ =	shalt  }
0x55: {  	_ =	shalt  }
0x56: {  	_ =	shalt  }
0x57: {  	_ =	shalt  }
0x58: {  	_ =	shalt  }
0x59: {  	_ =	shalt  }
0x5a: {  	_ =	shalt  }
0x5b: {  	_ =	shalt  }
0x5c: {  	_ =	shalt  }
0x5d: {  	_ =	shalt  }
0x5e: {  	_ =	shalt  }
0x5f: {  	_ =	shalt  }
0x60: {  	_ =	shalt  }
0x61: {  	_ =	shalt  }
0x62: {  	_ =	shalt  }
0x63: {  	_ =	shalt  }
0x64: {  	_ =	shalt  }
0x65: {  	_ =	shalt  }
0x66: {  	_ =	shalt  }
0x67: {  	_ =	shalt  }
0x68: {  	_ =	shalt  }
0x69: {  	_ =	shalt  }
0x6a: {  	_ =	shalt  }
0x6b: {  	_ =	shalt  }
0x6c: {  	_ =	shalt  }
0x6d: {  	_ =	shalt  }
0x6e: {  	_ =	shalt  }
0x6f: {  	_ =	shalt  }
0x70: {  	_ =	shalt  }
0x71: {  	_ =	shalt  }
0x72: {  	_ =	shalt  }
0x73: {  	_ =	shalt  }
0x74: {  	_ =	shalt  }
0x75: {  	_ =	shalt  }
0x76: {  	_ =	shalt  }
0x77: {  	_ =	shalt  }
0x78: {  	_ =	shalt  }
0x79: {  	_ =	shalt  }
0x7a: {  	_ =	shalt  }
0x7b: {  	_ =	shalt  }
0x7c: {  	_ =	shalt  }
0x7d: {  	_ =	shalt  }
0x7e: {  	_ =	shalt  }
0x7f: {  	_ =	shalt  }
0x80: {  	_ =	shalt  }
0x81: {  	_ =	shalt  }
0x82: {  	_ =	shalt  }
0x83: {  	_ =	shalt  }
0x84: {  	_ =	shalt  }
0x85: {  	_ =	shalt  }
0x86: {  	_ =	shalt  }
0x87: {  	_ =	shalt  }
.Lfunc_end0:
.L_simem_size_0:
called_computation.1_lowered:
.L_overlay_start_0:
0x88: {  	s2 =	sld [smem:$0x3FD9]  }
0x89: {  	s3 =	sld [smem:$0x3FFE];
	_ =	sdelay $0x1  }
0x8a: {  	s1 =	srdreg.scid  }
0x8b: {  	s0 =	sand.u32 $0x1, s1  }
0x8c: {  	s17 =	sshll.u32 s0, $0xA;
	s2 =	sadd.s32 s3, s2  }
0x8d: {  	s2 =	sadd.s32 s2, s17  }
0x8e: {  	[smem:$0x3FBF] =	sst s2  }
0x8f: {  	_ = 	snop  }
0x90: {  	s2 =	sld [smem:$0x3FC1]  }
0x91: {  	s18 =	sld [smem:$0x3FD0];
	(tm) =	ssettm $0x1  }
0x92: {  	s4 =	sld [smem:$0x3FFB];
	_ =	sdelay $0x3  }
0x93: {  	_ =	strace s4  }
0x94: {  	s4 =	sld [smem:$0x3FFC];
	_ =	sdelay $0x3  }
0x95: {  	_ =	strace s4  }
0x96: {  	s4 =	sld [smem:$0x3FFD];
	_ =	sdelay $0x3  }
0x97: {  	_ =	strace s4  }
0x98: {  	_ =	strace $0x8FFFFFFF  }
0x99: {  	s19 =	sld [smem:$0x3FDB];
	_ =	sdelay $0x1  }
0x9a: {  	s5 =	simm.s32 $_scs_section_size  }
0x9b: {  	s6 =	simm.s32 $_size__tile_overlayer_lowered;
	s7 =	simm.s32 $_tile_overlayer_lowered  }
0x9c: {  	s22 =	simm.s32 $0x1BFF;
	s21 =	sshll.u32 s7, $0x1;
	s4 =	sadd.s32 s5, s19  }
0x9d: {  	s8 =	simm.s32 $0x0;
	s20 =	sshll.u32 s6, $0x1;
	s6 =	sadd.s32 s21, s4  }
0x9e: {  	[timem:s8], [sflag:s22] =	dma.local [hbm:s6], s20  }
0x9f: {  	_ =	swait.ge [sflag:s22], s20  }
0xa0: {  	s5 =	ssub.s32 $0x0, s20;
	[sflag:s22] =	ssyncset.done $0x0  }
0xa1: {  	[sflag:s22] =	ssyncadd.s32 s5;
	_ =	sdelay $0x1  }
0xa2: {  	s23 =	simm.s32 $0x1B8B  }
0xa3: {  	_ =	swait.ge [sflag:s23], $0x1  }
0xa4: {  	[sflag:s23] =	ssyncset.done $0x0  }
0xa5: {  	s25 =	simm.s32 $0x1B8E;
	s24 =	sld [smem:$0x3FFE];
	[sflag:s23] =	ssyncadd.s32 $0xFFFFFFFF  }
0xa6: {  	s26 =	simm.s32 $execute0_lowered;
	[smem:$0x3FD2] =	sst s25  }
0xa7: {  	s6 =	sshll.u32 s26, $0x1;
	_ =	strace $0x80000049;
	[dreg:$0x1] =	wrdreg $0xFFFFFFFF  }
0xa8: {  	s28 =	simm.s32 $_size_execute0_lowered;
	s4 =	sadd.s32 s4, s6;
	[dreg:$0x0] =	wrdreg $0x0  }
0xa9: {  	s6 =	sshll.u32 s28, $0x1;
	[dreg:$0x2] =	wrdreg s4  }
0xaa: {  	[dreg:$0x3] =	wrdreg s6  }
0xab: {  	[dreg:$0x4] =	wrdreg $0xC0  }
0xac: {  	_ =	task [dreg:s8], $0x5FFFF  }
0xad: {  	[dreg:$0x1] =	wrdreg $0xFFFFFFFF  }
0xae: {  	[dreg:$0x0] =	wrdreg $0x60  }
0xaf: {  	[dreg:$0x2] =	wrdreg s24  }
0xb0: {  	[dreg:$0x3] =	wrdreg s2  }
0xb1: {  	[dreg:$0x4] =	wrdreg s18  }
0xb2: {  	[dreg:$0x5] =	wrdreg $0x9  }
0xb3: {  	_ =	task.clear_ibuf [dreg:s8], $0x6FFFF;
	_ =	strace $0x90000049  }
0xb4: {  	s29 =	simm.s32 $0x9;
	_ =	strace $0x8000004B  }
0xb5: {  	_ =	swait.ge [sflag:s29], $0x1  }
0xb6: {  	[sflag:s29] =	ssyncadd.s32 $0xFFFFFFFF  }
0xb7: {  	_ =	strace $0x9000004B  }
0xb8: {  	_ =	sfence  }
0xb9: {  	s30 =	sld [smem:$0x0];
	_ =	sdelay $0x2  }
0xba: {  	s31 =	sshll.u32 s1, $0xD;
	s1 =	sshrl.u32 s1, $0x2  }
0xbb: {  	s3 =	sand.u32 $0x4000, s31;
	s1 =	sadd.s32 s1, s30  }
0xbc: {  	s0 =	sor.u32 s3, s0;
	s1 =	sshll.u32 s1, $0x11  }
0xbd: {  	s0 =	sor.u32 s1, s0  }
0xbe: {  	s0 =	sadd.s32 $0x8F2B, s0  }
0xbf: {  	[sflag:s0] =	ssyncadd.remote.s32 $0x1  }
0xc0: {  	_ =	sfence.sel $0xFFFF  }
0xc1: {  	[dreg:$0x0] =	wrdreg $0xFFFFFFFF;
	(pc) =	sbr.abs _section_cstart, $3  }
0xc2: {  	[dreg:$0x1] =	wrdreg $0xFFFFFFFF  }
0xc3: {  	_ =	task.clear_ibuf [dreg:s8], $0x2FFFF;
	_ =	strace $0x9FFFFFFF  }
0xc4: {  	(tm) =	ssettm $0x7FFFFFFF  }
0xc5: {  	_ =	shalt  }
tec
execute0_lowered:
.L_overlay_start_1:
0x0: {  	(tag) =	ssettag $0x1  }
0x1: {  	s0 =	rddreg [dreg:$0x0]  }
0x2: {  	s1 =	srdreg.scid;
	s4 =	rddreg [dreg:$0x1]  }
0x3: {  	s3 =	stileid.u32;
	s2 =	rddreg [dreg:$0x2]  }
0x4: {  	s26 =	simm.s32 $0x80;
	s17 =	simm.s32 $0x1;
	s20 =	simm.s32 $0x1100  }
0x5: {  	s21 =	simm.s32 $0x1900;
	s22 =	simm.s32 $0x2100;
	s23 =	simm.s32 $0x2900  }
0x6: {  	s24 =	simm.s32 $0x3100;
	s25 =	simm.s32 $0x3900;
	s28 =	simm.s32 $0x4900  }
0x7: {  	s29 =	simm.s32 $0x5100;
	s30 =	simm.s32 $0x5900;
	s31 =	simm.s32 $0x6100  }
0x8: {  	s9 =	simm.s32 $0x7900;
	s10 =	simm.s32 $0x8100;
	s11 =	simm.s32 $0x8900  }
0x9: {  	s12 =	simm.s32 $0x9100;
	s13 =	simm.s32 $0x9900;
	s14 =	simm.s32 $0xA100  }
0xa: {  	s15 =	simm.s32 $0xA900;
	s16 =	simm.s32 $0xB100;
	s8 =	simm.s32 $0xB900  }
0xb: {  	s1 =	sand.u32 $0x1, s1;
	s5 =	sshll.u32 s3, $0x5;
	s3 =	simm.s32 $0x0  }
0xc: {  	s6 =	sshll.u32 s1, $0x4;
	[smem:$0x7FF] =	sst s3;
	s1 =	ssub.s32 $0x2, s1  }
0xd: {  	s5 =	sor.u32 s6, s5;
	_ =	strace $0x8000004A;
	s7 =	sshrl.u32 s1, $0x1  }
0xe: {  	[dreg:$0x6] =	wrdreg s26;
	s26 =	simm.s32 $0x4100;
	s6 =	sadd.s32 s5, s0  }
0xf: {  	v2 =	vlaneseq.u32;
	s5 =	sadd.s32 s4, s5;
	s4 =	sadd.s32 $0x1800, s0;
	s1 =	ssub.s32 s1, s7  }
0x10: {  	vm0 =	vmmov $0xffff;
	v1 =	vshrl.u32 v2, $0x3;
	s6 =	sadd.s32 $0x41800, s6;
	[dreg:$0x5] =	wrdreg s5;
	s5 =	sadd.s32 $0x1900, s0  }
0x11: {  	v0 =	vand.u32 $0x7, v2;
	v2 =	vor.u32 $0x8, v2;
	v1 =	vmul.u32 $0x8, v1;
	s7 =	smax.u32 s1, $0x1;
	[dreg:$0x4] =	wrdreg s6;
	s6 =	sadd.s32 $0x100, s2  }
.LBB2_1:
0x12: {  	s18 =	rddreg [dreg:$0x4];
	s0 =	simm.s32 $0x2  }
0x13: {  	[tilespmem:s3], [sflag:$0x2] =	stream.linear.gather [hbm4b:s18+s3], $0x80, $0x38;
	[tilespmem:$0x10100] =	vst v63  }
0x14: {  	_ =	swait.ge [sflag:s0], $0x80  }
0x15: {  	s1 =	rddreg [dreg:$0x5];
	[sflag:s0] =	ssyncset.done $0x0  }
0x16: {  	s19 =	rddreg [dreg:$0x6];
	[sflag:s0] =	ssyncadd.s32 $0xFFFFFF80  }
0x17: {  	[tilespmem:s19], [sflag:$0x2] =	stream.linear.gather [hbm4b:s1+s3], $0x80, $0x38;
	[tilespmem:$0x10100] =	vst v63  }
0x18: {  	_ =	swait.ge [sflag:s0], $0x80  }
0x19: {  	[sflag:s0] =	ssyncset.done $0x0  }
0x1a: {  	[sflag:s0] =	ssyncadd.s32 $0xFFFFFF80  }
0x1b: {  	v3 =	vld [tilespmem:$0x0];
	_ =	sdelay $0x4  }
0x1c: {  	v4 =	vshll.u32 v3, $0x2  }
0x1d: {  	v3 =	vand.u32 $0x7, v3;
	v4 =	vand.u32 $0xFFFFFFE0, v4  }
0x1e: {  	v3 =	vor.u32 v3, v4  }
0x1f: {  	v4 =	vperm.xlane v3, v0;
	_ =	sdelay $0x1  }
0x20: {  	v4 =	vadd.s32 v1, v4;
	_ =	sdelay $0x1  }
0x21: {  	v3 =	vperm.xlane v3, v2;
	_ =	sdelay $0x1  }
0x22: {  	s18 =	simm.s32 $0x100;
	v3 =	vadd.s32 v1, v3  }
0x23: {  	[tilespmem:s18], [sflag:$0x1] =	stream.indirect_vreg.gather [hbm4b:s4+s3], $0x80, v4, vm0, $0xb8;
	[tilespmem:$0x10100] =	vst v63  }
0x24: {  	s19 =	simm.s32 $0x900  }
0x25: {  	[tilespmem:s19], [sflag:$0x1] =	stream.indirect_vreg.gather [hbm4b:s5+s3], $0x80, v4, vm0, $0xb8;
	[tilespmem:$0x10100] =	vst v63  }
0x26: {  	_ = 	snop  }
0x27: {  	[tilespmem:s20], [sflag:$0x1] =	stream.indirect_vreg.gather [hbm4b:s4+s3], $0x80, v3, vm0, $0xb8;
	[tilespmem:$0x10100] =	vst v63  }
0x28: {  	_ = 	snop  }
0x29: {  	[tilespmem:s21], [sflag:$0x1] =	stream.indirect_vreg.gather [hbm4b:s5+s3], $0x80, v3, vm0, $0xb8;
	[tilespmem:$0x10100] =	vst v63  }
0x2a: {  	v3 =	vld [tilespmem:$0x10];
	_ =	sdelay $0x4  }
0x2b: {  	v49 =	vshll.u32 v3, $0x2  }
0x2c: {  	v3 =	vand.u32 $0x7, v3;
	v4 =	vand.u32 $0xFFFFFFE0, v49  }
0x2d: {  	v3 =	vor.u32 v3, v4  }
0x2e: {  	v4 =	vperm.xlane v3, v0;
	_ =	sdelay $0x1  }
0x2f: {  	v4 =	vadd.s32 v1, v4;
	_ =	sdelay $0x1  }
0x30: {  	v3 =	vperm.xlane v3, v2;
	_ =	sdelay $0x1  }
0x31: {  	v3 =	vadd.s32 v1, v3  }
0x32: {  	[tilespmem:s22], [sflag:$0x1] =	stream.indirect_vreg.gather [hbm4b:s4+s3], $0x80, v4, vm0, $0xb8;
	[tilespmem:$0x10100] =	vst v63  }
0x33: {  	_ = 	snop  }
0x34: {  	[tilespmem:s23], [sflag:$0x1] =	stream.indirect_vreg.gather [hbm4b:s5+s3], $0x80, v4, vm0, $0xb8;
	[tilespmem:$0x10100] =	vst v63  }
0x35: {  	_ = 	snop  }
0x36: {  	[tilespmem:s24], [sflag:$0x1] =	stream.indirect_vreg.gather [hbm4b:s4+s3], $0x80, v3, vm0, $0xb8;
	[tilespmem:$0x10100] =	vst v63  }
0x37: {  	_ = 	snop  }
0x38: {  	[tilespmem:s25], [sflag:$0x1] =	stream.indirect_vreg.gather [hbm4b:s5+s3], $0x80, v3, vm0, $0xb8;
	[tilespmem:$0x10100] =	vst v63  }
0x39: {  	v3 =	vld [tilespmem:$0x20];
	_ =	sdelay $0x4  }
0x3a: {  	v50 =	vshll.u32 v3, $0x2  }
0x3b: {  	v3 =	vand.u32 $0x7, v3;
	v4 =	vand.u32 $0xFFFFFFE0, v50  }
0x3c: {  	v3 =	vor.u32 v3, v4  }
0x3d: {  	v4 =	vperm.xlane v3, v0;
	_ =	sdelay $0x1  }
0x3e: {  	v4 =	vadd.s32 v1, v4;
	_ =	sdelay $0x1  }
0x3f: {  	v3 =	vperm.xlane v3, v2;
	_ =	sdelay $0x1  }
0x40: {  	v3 =	vadd.s32 v1, v3  }
0x41: {  	[tilespmem:s26], [sflag:$0x1] =	stream.indirect_vreg.gather [hbm4b:s4+s3], $0x80, v4, vm0, $0xb8;
	[tilespmem:$0x10100] =	vst v63  }
0x42: {  	_ = 	snop  }
0x43: {  	[tilespmem:s28], [sflag:$0x1] =	stream.indirect_vreg.gather [hbm4b:s5+s3], $0x80, v4, vm0, $0xb8;
	[tilespmem:$0x10100] =	vst v63  }
0x44: {  	_ = 	snop  }
0x45: {  	[tilespmem:s29], [sflag:$0x1] =	stream.indirect_vreg.gather [hbm4b:s4+s3], $0x80, v3, vm0, $0xb8;
	[tilespmem:$0x10100] =	vst v63  }
0x46: {  	_ = 	snop  }
0x47: {  	[tilespmem:s30], [sflag:$0x1] =	stream.indirect_vreg.gather [hbm4b:s5+s3], $0x80, v3, vm0, $0xb8;
	[tilespmem:$0x10100] =	vst v63  }
0x48: {  	v3 =	vld [tilespmem:$0x30];
	_ =	sdelay $0x4  }
0x49: {  	v51 =	vshll.u32 v3, $0x2  }
0x4a: {  	v3 =	vand.u32 $0x7, v3;
	v4 =	vand.u32 $0xFFFFFFE0, v51  }
0x4b: {  	v3 =	vor.u32 v3, v4  }
0x4c: {  	v4 =	vperm.xlane v3, v0;
	_ =	sdelay $0x1  }
0x4d: {  	v4 =	vadd.s32 v1, v4;
	_ =	sdelay $0x1  }
0x4e: {  	v3 =	vperm.xlane v3, v2;
	_ =	sdelay $0x1  }
0x4f: {  	v3 =	vadd.s32 v1, v3  }
0x50: {  	[tilespmem:s31], [sflag:$0x1] =	stream.indirect_vreg.gather [hbm4b:s4+s3], $0x80, v4, vm0, $0xb8;
	[tilespmem:$0x10100] =	vst v63  }
0x51: {  	s1 =	simm.s32 $0x6900  }
0x52: {  	[tilespmem:s1], [sflag:$0x1] =	stream.indirect_vreg.gather [hbm4b:s5+s3], $0x80, v4, vm0, $0xb8;
	[tilespmem:$0x10100] =	vst v63  }
0x53: {  	s0 =	simm.s32 $0x7100  }
0x54: {  	[tilespmem:s0], [sflag:$0x1] =	stream.indirect_vreg.gather [hbm4b:s4+s3], $0x80, v3, vm0, $0xb8;
	[tilespmem:$0x10100] =	vst v63  }
0x55: {  	_ = 	snop  }
0x56: {  	[tilespmem:s9], [sflag:$0x1] =	stream.indirect_vreg.gather [hbm4b:s5+s3], $0x80, v3, vm0, $0xb8;
	[tilespmem:$0x10100] =	vst v63  }
0x57: {  	v3 =	vld [tilespmem:$0x40];
	_ =	sdelay $0x4  }
0x58: {  	v52 =	vshll.u32 v3, $0x2  }
0x59: {  	v3 =	vand.u32 $0x7, v3;
	v4 =	vand.u32 $0xFFFFFFE0, v52  }
0x5a: {  	v3 =	vor.u32 v3, v4  }
0x5b: {  	v4 =	vperm.xlane v3, v0;
	_ =	sdelay $0x1  }
0x5c: {  	v4 =	vadd.s32 v1, v4;
	_ =	sdelay $0x1  }
0x5d: {  	v3 =	vperm.xlane v3, v2;
	_ =	sdelay $0x1  }
0x5e: {  	v3 =	vadd.s32 v1, v3  }
0x5f: {  	[tilespmem:s10], [sflag:$0x1] =	stream.indirect_vreg.gather [hbm4b:s4+s3], $0x80, v4, vm0, $0xb8;
	[tilespmem:$0x10100] =	vst v63  }
0x60: {  	_ = 	snop  }
0x61: {  	[tilespmem:s11], [sflag:$0x1] =	stream.indirect_vreg.gather [hbm4b:s5+s3], $0x80, v4, vm0, $0xb8;
	[tilespmem:$0x10100] =	vst v63  }
0x62: {  	_ = 	snop  }
0x63: {  	[tilespmem:s12], [sflag:$0x1] =	stream.indirect_vreg.gather [hbm4b:s4+s3], $0x80, v3, vm0, $0xb8;
	[tilespmem:$0x10100] =	vst v63  }
0x64: {  	_ = 	snop  }
0x65: {  	[tilespmem:s13], [sflag:$0x1] =	stream.indirect_vreg.gather [hbm4b:s5+s3], $0x80, v3, vm0, $0xb8;
	[tilespmem:$0x10100] =	vst v63  }
0x66: {  	v3 =	vld [tilespmem:$0x50];
	_ =	sdelay $0x4  }
0x67: {  	v53 =	vshll.u32 v3, $0x2  }
0x68: {  	v3 =	vand.u32 $0x7, v3;
	v4 =	vand.u32 $0xFFFFFFE0, v53  }
0x69: {  	v3 =	vor.u32 v3, v4  }
0x6a: {  	v4 =	vperm.xlane v3, v0;
	_ =	sdelay $0x1  }
0x6b: {  	v4 =	vadd.s32 v1, v4;
	_ =	sdelay $0x1  }
0x6c: {  	v3 =	vperm.xlane v3, v2;
	_ =	sdelay $0x1  }
0x6d: {  	v3 =	vadd.s32 v1, v3  }
0x6e: {  	[tilespmem:s14], [sflag:$0x1] =	stream.indirect_vreg.gather [hbm4b:s4+s3], $0x80, v4, vm0, $0xb8;
	[tilespmem:$0x10100] =	vst v63  }
0x6f: {  	_ = 	snop  }
0x70: {  	[tilespmem:s15], [sflag:$0x1] =	stream.indirect_vreg.gather [hbm4b:s5+s3], $0x80, v4, vm0, $0xb8;
	[tilespmem:$0x10100] =	vst v63  }
0x71: {  	_ = 	snop  }
0x72: {  	[tilespmem:s16], [sflag:$0x1] =	stream.indirect_vreg.gather [hbm4b:s4+s3], $0x80, v3, vm0, $0xb8;
	[tilespmem:$0x10100] =	vst v63  }
0x73: {  	_ = 	snop  }
0x74: {  	[tilespmem:s8], [sflag:$0x1] =	stream.indirect_vreg.gather [hbm4b:s5+s3], $0x80, v3, vm0, $0xb8;
	[tilespmem:$0x10100] =	vst v63  }
0x75: {  	v3 =	vld [tilespmem:$0x60];
	_ =	sdelay $0x4  }
0x76: {  	v54 =	vshll.u32 v3, $0x2  }
0x77: {  	v3 =	vand.u32 $0x7, v3;
	v4 =	vand.u32 $0xFFFFFFE0, v54  }
0x78: {  	v3 =	vor.u32 v3, v4  }
0x79: {  	v4 =	vperm.xlane v3, v0;
	_ =	sdelay $0x1  }
0x7a: {  	v4 =	vadd.s32 v1, v4;
	_ =	sdelay $0x1  }
0x7b: {  	v3 =	vperm.xlane v3, v2;
	_ =	sdelay $0x1  }
0x7c: {  	s0 =	simm.s32 $0xC100;
	v3 =	vadd.s32 v1, v3  }
0x7d: {  	[tilespmem:s0], [sflag:$0x1] =	stream.indirect_vreg.gather [hbm4b:s4+s3], $0x80, v4, vm0, $0xb8;
	[tilespmem:$0x10100] =	vst v63  }
0x7e: {  	s0 =	simm.s32 $0xC900  }
0x7f: {  	[tilespmem:s0], [sflag:$0x1] =	stream.indirect_vreg.gather [hbm4b:s5+s3], $0x80, v4, vm0, $0xb8;
	[tilespmem:$0x10100] =	vst v63  }
0x80: {  	s0 =	simm.s32 $0xD100  }
0x81: {  	[tilespmem:s0], [sflag:$0x1] =	stream.indirect_vreg.gather [hbm4b:s4+s3], $0x80, v3, vm0, $0xb8;
	[tilespmem:$0x10100] =	vst v63  }
0x82: {  	s0 =	simm.s32 $0xD900  }
0x83: {  	[tilespmem:s0], [sflag:$0x1] =	stream.indirect_vreg.gather [hbm4b:s5+s3], $0x80, v3, vm0, $0xb8;
	[tilespmem:$0x10100] =	vst v63  }
0x84: {  	v3 =	vld [tilespmem:$0x70];
	_ =	sdelay $0x4  }
0x85: {  	v55 =	vshll.u32 v3, $0x2  }
0x86: {  	v3 =	vand.u32 $0x7, v3;
	v4 =	vand.u32 $0xFFFFFFE0, v55  }
0x87: {  	v3 =	vor.u32 v3, v4  }
0x88: {  	v4 =	vperm.xlane v3, v0;
	_ =	sdelay $0x1  }
0x89: {  	v4 =	vadd.s32 v1, v4;
	_ =	sdelay $0x1  }
0x8a: {  	v3 =	vperm.xlane v3, v2;
	_ =	sdelay $0x1  }
0x8b: {  	s0 =	simm.s32 $0xE100;
	v3 =	vadd.s32 v1, v3  }
0x8c: {  	[tilespmem:s0], [sflag:$0x1] =	stream.indirect_vreg.gather [hbm4b:s4+s3], $0x80, v4, vm0, $0xb8;
	[tilespmem:$0x10100] =	vst v63  }
0x8d: {  	s0 =	simm.s32 $0xE900  }
0x8e: {  	[tilespmem:s0], [sflag:$0x1] =	stream.indirect_vreg.gather [hbm4b:s5+s3], $0x80, v4, vm0, $0xb8;
	[tilespmem:$0x10100] =	vst v63  }
0x8f: {  	s0 =	simm.s32 $0xF100  }
0x90: {  	[tilespmem:s0], [sflag:$0x1] =	stream.indirect_vreg.gather [hbm4b:s4+s3], $0x80, v3, vm0, $0xb8;
	[tilespmem:$0x10100] =	vst v63  }
0x91: {  	s0 =	simm.s32 $0xF900  }
0x92: {  	[tilespmem:s0], [sflag:$0x1] =	stream.indirect_vreg.gather [hbm4b:s5+s3], $0x80, v3, vm0, $0xb8;
	[tilespmem:$0x10100] =	vst v63  }
0x93: {  	_ =	swait.ge [sflag:s17], $0x10000  }
0x94: {  	[sflag:s17] =	ssyncset.done $0x0  }
0x95: {  	[sflag:s17] =	ssyncadd.s32 $0xFFFF0000  }
0x96: {  	v3 =	vld [tilespmem:$0x80];
	_ =	sdelay $0x4  }
0x97: {  	v56 =	vshll.u32 v3, $0x2  }
0x98: {  	v3 =	vand.u32 $0x7, v3;
	v4 =	vand.u32 $0xFFFFFFE0, v56  }
0x99: {  	v3 =	vor.u32 v3, v4  }
0x9a: {  	v4 =	vperm.xlane v3, v0;
	_ =	sdelay $0x1  }
0x9b: {  	v4 =	vadd.s32 v1, v4;
	_ =	sdelay $0x1  }
0x9c: {  	v3 =	vperm.xlane v3, v2;
	_ =	sdelay $0x1  }
0x9d: {  	v3 =	vadd.s32 v1, v3  }
0x9e: {  	[hbm4b:s2+s3] =	stream.indirect_vreg.scatter [tilespmem:s18], [sflag:$0x1], $0x80, v4, vm0, $0xb8;
	[tilespmem:$0x10100] =	vst v63  }
0x9f: {  	_ = 	snop  }
0xa0: {  	[hbm4b:s6+s3] =	stream.indirect_vreg.scatter [tilespmem:s19], [sflag:$0x1], $0x80, v4, vm0, $0xb8;
	[tilespmem:$0x10100] =	vst v63  }
0xa1: {  	_ = 	snop  }
0xa2: {  	[hbm4b:s2+s3] =	stream.indirect_vreg.scatter [tilespmem:s20], [sflag:$0x1], $0x80, v3, vm0, $0xb8;
	[tilespmem:$0x10100] =	vst v63  }
0xa3: {  	_ = 	snop  }
0xa4: {  	[hbm4b:s6+s3] =	stream.indirect_vreg.scatter [tilespmem:s21], [sflag:$0x1], $0x80, v3, vm0, $0xb8;
	[tilespmem:$0x10100] =	vst v63  }
0xa5: {  	v3 =	vld [tilespmem:$0x90];
	_ =	sdelay $0x4  }
0xa6: {  	v57 =	vshll.u32 v3, $0x2  }
0xa7: {  	v3 =	vand.u32 $0x7, v3;
	v4 =	vand.u32 $0xFFFFFFE0, v57  }
0xa8: {  	v3 =	vor.u32 v3, v4  }
0xa9: {  	v4 =	vperm.xlane v3, v0;
	_ =	sdelay $0x1  }
0xaa: {  	v4 =	vadd.s32 v1, v4;
	_ =	sdelay $0x1  }
0xab: {  	v3 =	vperm.xlane v3, v2;
	_ =	sdelay $0x1  }
0xac: {  	v3 =	vadd.s32 v1, v3  }
0xad: {  	[hbm4b:s2+s3] =	stream.indirect_vreg.scatter [tilespmem:s22], [sflag:$0x1], $0x80, v4, vm0, $0xb8;
	[tilespmem:$0x10100] =	vst v63  }
0xae: {  	_ = 	snop  }
0xaf: {  	[hbm4b:s6+s3] =	stream.indirect_vreg.scatter [tilespmem:s23], [sflag:$0x1], $0x80, v4, vm0, $0xb8;
	[tilespmem:$0x10100] =	vst v63  }
0xb0: {  	_ = 	snop  }
0xb1: {  	[hbm4b:s2+s3] =	stream.indirect_vreg.scatter [tilespmem:s24], [sflag:$0x1], $0x80, v3, vm0, $0xb8;
	[tilespmem:$0x10100] =	vst v63  }
0xb2: {  	_ = 	snop  }
0xb3: {  	[hbm4b:s6+s3] =	stream.indirect_vreg.scatter [tilespmem:s25], [sflag:$0x1], $0x80, v3, vm0, $0xb8;
	[tilespmem:$0x10100] =	vst v63  }
0xb4: {  	v3 =	vld [tilespmem:$0xA0];
	_ =	sdelay $0x4  }
0xb5: {  	v58 =	vshll.u32 v3, $0x2  }
0xb6: {  	v3 =	vand.u32 $0x7, v3;
	v4 =	vand.u32 $0xFFFFFFE0, v58  }
0xb7: {  	v3 =	vor.u32 v3, v4  }
0xb8: {  	v4 =	vperm.xlane v3, v0;
	_ =	sdelay $0x1  }
0xb9: {  	v4 =	vadd.s32 v1, v4;
	_ =	sdelay $0x1  }
0xba: {  	v3 =	vperm.xlane v3, v2;
	_ =	sdelay $0x1  }
0xbb: {  	v3 =	vadd.s32 v1, v3  }
0xbc: {  	[hbm4b:s2+s3] =	stream.indirect_vreg.scatter [tilespmem:s26], [sflag:$0x1], $0x80, v4, vm0, $0xb8;
	[tilespmem:$0x10100] =	vst v63  }
0xbd: {  	_ = 	snop  }
0xbe: {  	[hbm4b:s6+s3] =	stream.indirect_vreg.scatter [tilespmem:s28], [sflag:$0x1], $0x80, v4, vm0, $0xb8;
	[tilespmem:$0x10100] =	vst v63  }
0xbf: {  	_ = 	snop  }
0xc0: {  	[hbm4b:s2+s3] =	stream.indirect_vreg.scatter [tilespmem:s29], [sflag:$0x1], $0x80, v3, vm0, $0xb8;
	[tilespmem:$0x10100] =	vst v63  }
0xc1: {  	_ = 	snop  }
0xc2: {  	[hbm4b:s6+s3] =	stream.indirect_vreg.scatter [tilespmem:s30], [sflag:$0x1], $0x80, v3, vm0, $0xb8;
	[tilespmem:$0x10100] =	vst v63  }
0xc3: {  	v3 =	vld [tilespmem:$0xB0];
	_ =	sdelay $0x4  }
0xc4: {  	v59 =	vshll.u32 v3, $0x2  }
0xc5: {  	v3 =	vand.u32 $0x7, v3;
	v4 =	vand.u32 $0xFFFFFFE0, v59  }
0xc6: {  	v3 =	vor.u32 v3, v4  }
0xc7: {  	v4 =	vperm.xlane v3, v0;
	_ =	sdelay $0x1  }
0xc8: {  	v4 =	vadd.s32 v1, v4;
	_ =	sdelay $0x1  }
0xc9: {  	v3 =	vperm.xlane v3, v2;
	_ =	sdelay $0x1  }
0xca: {  	v3 =	vadd.s32 v1, v3  }
0xcb: {  	[hbm4b:s2+s3] =	stream.indirect_vreg.scatter [tilespmem:s31], [sflag:$0x1], $0x80, v4, vm0, $0xb8;
	[tilespmem:$0x10100] =	vst v63  }
0xcc: {  	_ = 	snop  }
0xcd: {  	[hbm4b:s6+s3] =	stream.indirect_vreg.scatter [tilespmem:s1], [sflag:$0x1], $0x80, v4, vm0, $0xb8;
	[tilespmem:$0x10100] =	vst v63  }
0xce: {  	s18 =	simm.s32 $0x7100  }
0xcf: {  	[hbm4b:s2+s3] =	stream.indirect_vreg.scatter [tilespmem:s18], [sflag:$0x1], $0x80, v3, vm0, $0xb8;
	[tilespmem:$0x10100] =	vst v63  }
0xd0: {  	_ = 	snop  }
0xd1: {  	[hbm4b:s6+s3] =	stream.indirect_vreg.scatter [tilespmem:s9], [sflag:$0x1], $0x80, v3, vm0, $0xb8;
	[tilespmem:$0x10100] =	vst v63  }
0xd2: {  	v3 =	vld [tilespmem:$0xC0];
	_ =	sdelay $0x4  }
0xd3: {  	v60 =	vshll.u32 v3, $0x2  }
0xd4: {  	v3 =	vand.u32 $0x7, v3;
	v4 =	vand.u32 $0xFFFFFFE0, v60  }
0xd5: {  	v3 =	vor.u32 v3, v4  }
0xd6: {  	v4 =	vperm.xlane v3, v0;
	_ =	sdelay $0x1  }
0xd7: {  	v4 =	vadd.s32 v1, v4;
	_ =	sdelay $0x1  }
0xd8: {  	v3 =	vperm.xlane v3, v2;
	_ =	sdelay $0x1  }
0xd9: {  	v3 =	vadd.s32 v1, v3  }
0xda: {  	[hbm4b:s2+s3] =	stream.indirect_vreg.scatter [tilespmem:s10], [sflag:$0x1], $0x80, v4, vm0, $0xb8;
	[tilespmem:$0x10100] =	vst v63  }
0xdb: {  	_ = 	snop  }
0xdc: {  	[hbm4b:s6+s3] =	stream.indirect_vreg.scatter [tilespmem:s11], [sflag:$0x1], $0x80, v4, vm0, $0xb8;
	[tilespmem:$0x10100] =	vst v63  }
0xdd: {  	_ = 	snop  }
0xde: {  	[hbm4b:s2+s3] =	stream.indirect_vreg.scatter [tilespmem:s12], [sflag:$0x1], $0x80, v3, vm0, $0xb8;
	[tilespmem:$0x10100] =	vst v63  }
0xdf: {  	_ = 	snop  }
0xe0: {  	[hbm4b:s6+s3] =	stream.indirect_vreg.scatter [tilespmem:s13], [sflag:$0x1], $0x80, v3, vm0, $0xb8;
	[tilespmem:$0x10100] =	vst v63  }
0xe1: {  	v3 =	vld [tilespmem:$0xD0];
	_ =	sdelay $0x4  }
0xe2: {  	v61 =	vshll.u32 v3, $0x2  }
0xe3: {  	v3 =	vand.u32 $0x7, v3;
	v4 =	vand.u32 $0xFFFFFFE0, v61  }
0xe4: {  	v3 =	vor.u32 v3, v4  }
0xe5: {  	v4 =	vperm.xlane v3, v0;
	_ =	sdelay $0x1  }
0xe6: {  	v4 =	vadd.s32 v1, v4;
	_ =	sdelay $0x1  }
0xe7: {  	v3 =	vperm.xlane v3, v2;
	_ =	sdelay $0x1  }
0xe8: {  	v3 =	vadd.s32 v1, v3  }
0xe9: {  	[hbm4b:s2+s3] =	stream.indirect_vreg.scatter [tilespmem:s14], [sflag:$0x1], $0x80, v4, vm0, $0xb8;
	[tilespmem:$0x10100] =	vst v63  }
0xea: {  	_ = 	snop  }
0xeb: {  	[hbm4b:s6+s3] =	stream.indirect_vreg.scatter [tilespmem:s15], [sflag:$0x1], $0x80, v4, vm0, $0xb8;
	[tilespmem:$0x10100] =	vst v63  }
0xec: {  	_ = 	snop  }
0xed: {  	[hbm4b:s2+s3] =	stream.indirect_vreg.scatter [tilespmem:s16], [sflag:$0x1], $0x80, v3, vm0, $0xb8;
	[tilespmem:$0x10100] =	vst v63  }
0xee: {  	_ = 	snop  }
0xef: {  	[hbm4b:s6+s3] =	stream.indirect_vreg.scatter [tilespmem:s8], [sflag:$0x1], $0x80, v3, vm0, $0xb8;
	[tilespmem:$0x10100] =	vst v63  }
0xf0: {  	v3 =	vld [tilespmem:$0xE0];
	_ =	sdelay $0x4  }
0xf1: {  	v62 =	vshll.u32 v3, $0x2  }
0xf2: {  	v3 =	vand.u32 $0x7, v3;
	v4 =	vand.u32 $0xFFFFFFE0, v62  }
0xf3: {  	v3 =	vor.u32 v3, v4  }
0xf4: {  	v4 =	vperm.xlane v3, v0;
	_ =	sdelay $0x1  }
0xf5: {  	v4 =	vadd.s32 v1, v4;
	_ =	sdelay $0x1  }
0xf6: {  	v3 =	vperm.xlane v3, v2;
	_ =	sdelay $0x1  }
0xf7: {  	s19 =	simm.s32 $0xC100;
	v3 =	vadd.s32 v1, v3  }
0xf8: {  	[hbm4b:s2+s3] =	stream.indirect_vreg.scatter [tilespmem:s19], [sflag:$0x1], $0x80, v4, vm0, $0xb8;
	[tilespmem:$0x10100] =	vst v63  }
0xf9: {  	s18 =	simm.s32 $0xC900  }
0xfa: {  	[hbm4b:s6+s3] =	stream.indirect_vreg.scatter [tilespmem:s18], [sflag:$0x1], $0x80, v4, vm0, $0xb8;
	[tilespmem:$0x10100] =	vst v63  }
0xfb: {  	s19 =	simm.s32 $0xD100  }
0xfc: {  	[hbm4b:s2+s3] =	stream.indirect_vreg.scatter [tilespmem:s19], [sflag:$0x1], $0x80, v3, vm0, $0xb8;
	[tilespmem:$0x10100] =	vst v63  }
0xfd: {  	s18 =	simm.s32 $0xD900  }
0xfe: {  	[hbm4b:s6+s3] =	stream.indirect_vreg.scatter [tilespmem:s18], [sflag:$0x1], $0x80, v3, vm0, $0xb8;
	[tilespmem:$0x10100] =	vst v63  }
0xff: {  	v3 =	vld [tilespmem:$0xF0];
	_ =	sdelay $0x4  }
0x100: {  	v63 =	vshll.u32 v3, $0x2  }
0x101: {  	v3 =	vand.u32 $0x7, v3;
	v4 =	vand.u32 $0xFFFFFFE0, v63  }
0x102: {  	v3 =	vor.u32 v3, v4  }
0x103: {  	v4 =	vperm.xlane v3, v0;
	_ =	sdelay $0x1  }
0x104: {  	v4 =	vadd.s32 v1, v4;
	_ =	sdelay $0x1  }
0x105: {  	v3 =	vperm.xlane v3, v2;
	_ =	sdelay $0x1  }
0x106: {  	s19 =	simm.s32 $0xE100;
	v3 =	vadd.s32 v1, v3  }
0x107: {  	[hbm4b:s2+s3] =	stream.indirect_vreg.scatter [tilespmem:s19], [sflag:$0x1], $0x80, v4, vm0, $0xb8;
	[tilespmem:$0x10100] =	vst v63  }
0x108: {  	s18 =	simm.s32 $0xE900  }
0x109: {  	[hbm4b:s6+s3] =	stream.indirect_vreg.scatter [tilespmem:s18], [sflag:$0x1], $0x80, v4, vm0, $0xb8;
	[tilespmem:$0x10100] =	vst v63  }
0x10a: {  	p0 =	sne.s32 s7, $0x1;
	s19 =	simm.s32 $0xF100  }
0x10b: {  	[hbm4b:s2+s3] =	stream.indirect_vreg.scatter [tilespmem:s19], [sflag:$0x1], $0x80, v3, vm0, $0xb8;
	[tilespmem:$0x10100] =	vst v63  }
.Ltmp0:
0x10c: {  	_ = 	snop;
	(pc) =	sbr.rel @p0 .LBB2_1-.Ltmp0, $4  }
0x10d: {  	[hbm4b:s6+s3] =	stream.indirect_vreg.scatter [tilespmem:s0], [sflag:$0x1], $0x80, v3, vm0, $0xb8;
	[tilespmem:$0x10100] =	vst v63  }
0x10e: {  	_ =	swait.ge [sflag:s17], $0x10000  }
0x10f: {  	[sflag:s17] =	ssyncset.done $0x0  }
0x110: {  	s7 =	sadd.s32 $0xFFFFFFFF, s7;
	[sflag:s17] =	ssyncadd.s32 $0xFFFF0000  }
0x111: {  	_ =	sfence.sel $0x180000  }
0x112: {  	[bflag:$0x0] =	sbarrier.arrive $0xFFFF  }
0x113: {  	_ =	strace $0x9000004A  }
0x114: {  	s0 =	stileid.u32;
	[bflag:$0x2] =	sbarrier.arrive $0xFFFF  }
0x115: {  	p0 =	sne.s32 s0, $0x0;
	s0 =	rddreg [dreg:$0x3]  }
0x116: {  	s0 =	sadd.s32 @!p0 $0x100000, s0  }
0x117: {  	[sflag:s0] =	ssyncadd.tile.s32 @!p0 $0x1;
	_ =	shalt  }
.Lfunc_end2:
_tile_overlayer_lowered:
.L_overlay_start_2:
0x118: {  	(tag) =	ssettag $0x2  }
0x119: {  	s0 =	rddreg [dreg:$0x0];
	s2 =	stileid.u32  }
0x11a: {  	s1 =	rddreg [dreg:$0x1];
	p0 =	sne.s32 s2, $0x0  }
0x11b: {  	s3 =	rddreg [dreg:$0x2];
	[bflag:$0x3] =	sbarrier.arrive $0xFFFF;
	s2 =	simm.s32 @!p0 $0x1C02  }
0x11c: {  	[timem:s3], [sflag:s2] =	dma.local @!p0 [hbm:s0], s1  }
0x11d: {  	s0 =	simm.s32 @!p0 $0x2  }
0x11e: {  	_ =	swait.ge @!p0 [sflag:s0], s1  }
0x11f: {  	s1 =	ssub.s32 @!p0 $0x0, s1;
	[sflag:s0] =	ssyncset.done @!p0 $0x0  }
0x120: {  	[sflag:s0] =	ssyncadd.s32 @!p0 s1  }
0x121: {  	[bflag:$0x3] =	sbarrier.arrive $0xFFFF  }
0x122: {  	_ =	shalt  }

</sc_bundles>
